<compile_context>
chip_gen: v7x
topology: tpu7x:2x2x1
jax: 0.10.2.dev20260603
libtpu: 0.0.44.dev20260713+nightly
codegen_flags: <defaults>
</compile_context>

<pallas_src>
import functools

import jax
import jax.numpy as jnp
from jax import lax
from jax.experimental import pallas as pl
from jax.experimental.pallas import tpu as pltpu
from jax.experimental.pallas import tpu_sc as plsc

N = 10000
E = 320000
D = 128
NPAD = 10240
NC, NS, L = 2, 16, 16
NW = NC * NS
EPW = E // NW
KCH, BCH = 125, 80
RPT = NPAD // NS
EPA = 9984
ERE = E - NW * EPA

_mesh = plsc.VectorSubcoreMesh(core_axis_name="c", subcore_axis_name="s",
                               num_cores=NC, num_subcores=NS)
_sc_params = pltpu.CompilerParams(needs_layout_passes=False)


@functools.partial(
    pl.kernel,
    out_type=jax.ShapeDtypeStruct((NW, NPAD), jnp.float32),
    mesh=_mesh,
    compiler_params=_sc_params,
    scratch_types=[
        pltpu.VMEM((2, EPA), jnp.int32),
        pltpu.VMEM((2, ERE), jnp.int32),
        pltpu.VMEM((NPAD,), jnp.float32),
    ],
)
def _sc_degree(ei_hbm, deg_hbm, slab_v, slab2_v, hist_v):
    c = lax.axis_index("c")
    s = lax.axis_index("s")
    wid = c * NS + s
    zero16 = jnp.zeros((L,), jnp.float32)
    one16 = jnp.ones((L,), jnp.float32)

    def _zero(i, carry):
        hist_v[pl.ds(i * L, L)] = zero16
        return carry

    lax.fori_loop(0, NPAD // L, _zero, 0)
    pltpu.sync_copy(ei_hbm.at[:, pl.ds(wid * EPA, EPA)], slab_v)

    def _hist(i, carry):
        idx = slab_v[1, pl.ds(i * L, L)]
        plsc.addupdate_scatter(hist_v, [idx], one16)
        return carry

    lax.fori_loop(0, EPA // L, _hist, 0)

    @pl.when(wid == NW - 1)
    def _():
        pltpu.sync_copy(ei_hbm.at[:, pl.ds(NW * EPA, ERE)], slab2_v)

        def _hist2(i, carry):
            idx = slab2_v[1, pl.ds(i * L, L)]
            plsc.addupdate_scatter(hist_v, [idx], one16)
            return carry

        lax.fori_loop(0, ERE // L, _hist2, 0)

    pltpu.sync_copy(hist_v, deg_hbm.at[wid])


def _tc_transform_body(x_ref, w_ref, deg_ref, g_ref):
    deg = jnp.sum(deg_ref[...], axis=0) + 1.0
    inv = lax.rsqrt(jnp.maximum(deg, 1e-9))
    h = jnp.dot(x_ref[...], w_ref[...], preferred_element_type=jnp.float32)
    g_ref[...] = h * inv[:, None]


def _tc_transform(x2p, W, deg_parts):
    blk = 2048
    grid = NPAD // blk
    return pl.pallas_call(
        _tc_transform_body,
        grid=(grid,),
        in_specs=[
            pl.BlockSpec((blk, D), lambda i: (i, 0)),
            pl.BlockSpec((D, D), lambda i: (0, 0)),
            pl.BlockSpec((NW, blk), lambda i: (0, i)),
        ],
        out_specs=pl.BlockSpec((blk, D), lambda i: (i, 0)),
        out_shape=jax.ShapeDtypeStruct((NPAD, D), jnp.float32),
    )(x2p, W, deg_parts)


@functools.partial(
    pl.kernel,
    out_type=jax.ShapeDtypeStruct((NC, NPAD, D), jnp.float32),
    mesh=_mesh,
    compiler_params=_sc_params,
    scratch_types=[
        pltpu.VMEM((EPW,), jnp.int32),
        pltpu.VMEM((KCH, BCH), jnp.int32),
        pltpu.VMEM((BCH, D), jnp.float32),
        pltpu.VMEM((BCH, D), jnp.float32),
        pltpu.SemaphoreType.DMA,
        pltpu.SemaphoreType.DMA,
        pltpu.VMEM_SHARED((NPAD, D), jnp.float32),
    ],
)
def _sc_scatter(g_hbm, src_hbm, dst3_hbm, part_hbm, isrc_v, idst_v, buf0_v,
                buf1_v, semg0, semg1, acc_sh):
    c = lax.axis_index("c")
    s = lax.axis_index("s")
    wid = c * NS + s
    rbase = s * RPT

    pltpu.sync_copy(src_hbm.at[pl.ds(wid * EPW, EPW)], isrc_v)
    pltpu.sync_copy(dst3_hbm.at[wid], idst_v)

    @pl.when(c == 0)
    def _():
        pltpu.async_copy(g_hbm.at[isrc_v.at[pl.ds(0, BCH)]], buf0_v, semg0)
        pltpu.async_copy(g_hbm.at[isrc_v.at[pl.ds(BCH, BCH)]], buf1_v, semg1)
        pltpu.sync_copy(g_hbm.at[pl.ds(rbase, RPT)],
                        acc_sh.at[pl.ds(rbase, RPT)])

    @pl.when(c != 0)
    def _():
        zero16 = jnp.zeros((L,), jnp.float32)

        def _z(i, carry):
            buf0_v[lax.div(i, jnp.int32(D // L)),
                   pl.ds(lax.rem(i, jnp.int32(D // L)) * L, L)] = zero16
            return carry

        lax.fori_loop(0, BCH * D // L, _z, 0)

        def _zcp(k, carry):
            pltpu.sync_copy(buf0_v, acc_sh.at[pl.ds(rbase + k * BCH, BCH)])
            return carry

        lax.fori_loop(0, RPT // BCH, _zcp, 0)
        pltpu.async_copy(g_hbm.at[isrc_v.at[pl.ds(0, BCH)]], buf0_v, semg0)
        pltpu.async_copy(g_hbm.at[isrc_v.at[pl.ds(BCH, BCH)]], buf1_v, semg1)

    plsc.subcore_barrier()

    def _gather(j, buf, semg):
        pltpu.async_copy(g_hbm.at[isrc_v.at[pl.ds(j * BCH, BCH)]], buf, semg)

    def _gwait(j, buf, semg):
        pltpu.make_async_copy(g_hbm.at[isrc_v.at[pl.ds(j * BCH, BCH)]],
                              buf, semg).wait()

    def _edge(t, carry):
        a = 2 * t
        _gwait(a, buf0_v, semg0)
        pltpu.sync_copy(buf0_v, acc_sh.at[idst_v.at[a]], add=True)

        @pl.when(a + 2 < KCH)
        def _():
            _gather(a + 2, buf0_v, semg0)

        _gwait(a + 1, buf1_v, semg1)
        pltpu.sync_copy(buf1_v, acc_sh.at[idst_v.at[a + 1]], add=True)

        @pl.when(a + 3 < KCH)
        def _():
            _gather(a + 3, buf1_v, semg1)

        return carry

    lax.fori_loop(0, KCH // 2, _edge, 0)

    _gwait(KCH - 1, buf0_v, semg0)
    pltpu.sync_copy(buf0_v, acc_sh.at[idst_v.at[KCH - 1]], add=True)

    plsc.subcore_barrier()
    pltpu.sync_copy(acc_sh.at[pl.ds(rbase, RPT)],
                    part_hbm.at[c, pl.ds(rbase, RPT)])


def _tc_finish_body(part_ref, deg_ref, b_ref, out_ref):
    deg = jnp.sum(deg_ref[...], axis=0) + 1.0
    inv = lax.rsqrt(jnp.maximum(deg, 1e-9))
    p = part_ref[...]
    out_ref[...] = (p[0] + p[1]) * inv[:, None] + b_ref[...]


def _tc_finish(part, deg_parts, b2):
    blk = 2048
    grid = NPAD // blk
    return pl.pallas_call(
        _tc_finish_body,
        grid=(grid,),
        in_specs=[
            pl.BlockSpec((NC, blk, D), lambda i: (0, i, 0)),
            pl.BlockSpec((NW, blk), lambda i: (0, i)),
            pl.BlockSpec((1, D), lambda i: (0, 0)),
        ],
        out_specs=pl.BlockSpec((blk, D), lambda i: (i, 0)),
        out_shape=jax.ShapeDtypeStruct((N, D), jnp.float32),
    )(part, deg_parts, b2)


def kernel(x, edge_index, W, b):
    x2 = x.reshape(N, D)
    src_flat = edge_index[0]
    dst_flat = edge_index[1]
    dst3 = dst_flat.reshape(NW, KCH, BCH)
    b2 = b.reshape(1, D)

    deg_parts = _sc_degree(edge_index)
    g = _tc_transform(x2, W, deg_parts)
    part = _sc_scatter(g, src_flat, dst3)
    outp = _tc_finish(part, deg_parts, b2)
    return outp.reshape(1, 1, N, D)

# --- scband reference (transcript-rebuilt; emitter-appended) ---
"""Pipeline reference for scband-gcnconv-28303834481380 (READ-ONLY COPY).

The authoritative reference and input builder live on the scoring server;
editing this copy changes nothing except your own understanding.
"""

import jax, jax.numpy as jnp
import numpy as np
import math

N_NODES = 10000
N_EDGES = 320000
D_IN = 128
D_OUT = 128


def setup_inputs(seed: int = 0) -> dict:
    key = jax.random.key(seed)
    k1, k2, k3 = jax.random.split(key, 3)
    x = jax.random.normal(k1, (1, 1, N_NODES, D_IN), dtype=jnp.float32)
    edge_index = jax.random.randint(k2, (2, N_EDGES), 0, N_NODES).astype(jnp.int32)
    W = jax.random.normal(k3, (D_IN, D_OUT), dtype=jnp.float32) * (1.0 / math.sqrt(D_IN))
    b = jnp.zeros((D_OUT,), dtype=jnp.float32)
    return {"x": x, "edge_index": edge_index, "W": W, "b": b}


def reference(x, edge_index, W, b):
    # x: [B, T, N, F] as used by the reference scatter helpers
    B, T, N, _ = x.shape
    # linear transform
    h = jnp.einsum('btnf,fo->btno', x, W)
    # add self loops (mirrors _add_self_loops_edge_index)
    loops = jnp.arange(N, dtype=edge_index.dtype)
    loop_index = jnp.stack([loops, loops], axis=0)
    ei = jnp.concatenate([edge_index, loop_index], axis=1)
    src = ei[0]
    dst = ei[1]
    # symmetric GCN normalization (mirrors _normalize_gcn_edge_weight)
    w = jnp.ones((src.shape[0],), dtype=x.dtype)
    deg = jnp.zeros((N,), dtype=x.dtype).at[dst].add(w)
    inv = jnp.clip(deg, 1e-09) ** -0.5
    norm = inv[dst] * w * inv[src]
    # gather messages, weight, scatter-add to dst (mirrors _edge_index_spmm)
    msg = h[:, :, src, :] * norm[None, None, :, None]
    out = jnp.zeros((B, T, N, h.shape[-1]), dtype=h.dtype).at[:, :, dst, :].add(msg)
    out = out + b
    return out

if __name__ == "__main__":
    import jax
    _d = setup_inputs()
    print(jax.jit(kernel)(*tuple(_d.values())))

</pallas_src>

<mosaic_0001>
#map = affine_map<(d0, d1) -> (0, 0)>
#map1 = affine_map<(d0, d1) -> (0)>
#map2 = affine_map<(d0, d1) -> (0, 0, 0)>
module attributes {stable_mosaic.version = 14 : i64} {
  func.func @_sc_scatter(%arg0: i32, %arg1: i32, %arg2: memref<10240x128xf32, #tpu.memory_space<hbm>>, %arg3: memref<320000xi32, #tpu.memory_space<hbm>>, %arg4: memref<32x125x80xi32, #tpu.memory_space<hbm>>, %arg5: memref<2x10240x128xf32, #tpu.memory_space<hbm>>, %arg6: memref<10000xi32, #tpu.memory_space<vmem>>, %arg7: memref<125x80xi32, #tpu.memory_space<vmem>>, %arg8: memref<80x128xf32, #tpu.memory_space<vmem>>, %arg9: memref<80x128xf32, #tpu.memory_space<vmem>>, %arg10: memref<!tpu.dma_semaphore, #tpu.memory_space<semaphore_mem>>, %arg11: memref<!tpu.dma_semaphore, #tpu.memory_space<semaphore_mem>>, %arg12: memref<10240x128xf32, #tpu.memory_space<vmem_shared>>) attributes {dimension_semantics = [#tpu.dimension_semantics<core_parallel>, #tpu.dimension_semantics<subcore_parallel>], iteration_bounds = array<i64: 2, 16>, scalar_prefetch = 0 : i64, scratch_operands = 7 : i64, tpu.core_type = #tpu.core_type<sc_vector_subcore>, window_params = [{transform_indices = #map}, {transform_indices = #map1}, {transform_indices = #map2}, {transform_indices = #map2}]} {
    %mul3A = arith.constant 16 : i32
    %mul3A_0 = arith.muli %arg0, %mul3A : i32
    %add3A = arith.addi %mul3A_0, %arg1 : i32
    %mul3A_1 = arith.constant 640 : i32
    %mul3A_2 = arith.muli %arg1, %mul3A_1 : i32
    %mul3A_3 = arith.constant 10000 : i32
    %mul3A_4 = arith.muli %add3A, %mul3A_3 : i32
    "tpu.region"() ({
      %run_scoped3A_21 = tpu.sem_alloc : memref<!tpu.dma_semaphore, #tpu.memory_space<semaphore_mem>>
      %dma_start3A = tpu.memref_slice %arg3[%mul3A_4] : memref<320000xi32, #tpu.memory_space<hbm>> -> memref<10000xi32, #tpu.memory_space<hbm>>
      %dma_start3A_22 = tpu.memref_slice %arg3[%mul3A_4] : memref<320000xi32, #tpu.memory_space<hbm>> -> memref<10000xi32, #tpu.memory_space<hbm>>
      tpu.enqueue_dma source(%dma_start3A_22 : memref<10000xi32, #tpu.memory_space<hbm>>) target(%arg6 : memref<10000xi32, #tpu.memory_space<vmem>>) target_semaphore(%run_scoped3A_21 : memref<!tpu.dma_semaphore, #tpu.memory_space<semaphore_mem>>)
      %dma_wait3A_23 = tpu.memref_slice %arg3[%mul3A_4] : memref<320000xi32, #tpu.memory_space<hbm>> -> memref<10000xi32, #tpu.memory_space<hbm>>
      %dma_wait3A_24 = tpu.memref_slice %arg3[%mul3A_4] : memref<320000xi32, #tpu.memory_space<hbm>> -> memref<10000xi32, #tpu.memory_space<hbm>>
      tpu.wait_dma2 semaphore(%run_scoped3A_21 : memref<!tpu.dma_semaphore, #tpu.memory_space<semaphore_mem>>) src(%dma_wait3A_24 : memref<10000xi32, #tpu.memory_space<hbm>>) dst(%arg6 : memref<10000xi32, #tpu.memory_space<vmem>>)
      tpu.yield
    }) : () -> ()
    "tpu.region"() ({
      %run_scoped3A_21 = tpu.sem_alloc : memref<!tpu.dma_semaphore, #tpu.memory_space<semaphore_mem>>
      %dma_start3A = arith.constant 0 : i32
      %dma_start3A_22 = arith.constant 0 : i32
      %dma_start3A_23 = tpu.memref_slice %arg4[%add3A, %dma_start3A, %dma_start3A_22] : memref<32x125x80xi32, #tpu.memory_space<hbm>> -> memref<1x125x80xi32, #tpu.memory_space<hbm>>
      %dma_start3A_24 = tpu.memref_squeeze %dma_start3A_23 : memref<1x125x80xi32, #tpu.memory_space<hbm>> -> memref<125x80xi32, #tpu.memory_space<hbm>>
      %dma_start3A_25 = arith.constant 0 : i32
      %dma_start3A_26 = arith.constant 0 : i32
      %dma_start3A_27 = tpu.memref_slice %arg4[%add3A, %dma_start3A_25, %dma_start3A_26] : memref<32x125x80xi32, #tpu.memory_space<hbm>> -> memref<1x125x80xi32, #tpu.memory_space<hbm>>
      %dma_start3A_28 = tpu.memref_squeeze %dma_start3A_27 : memref<1x125x80xi32, #tpu.memory_space<hbm>> -> memref<125x80xi32, #tpu.memory_space<hbm>>
      tpu.enqueue_dma source(%dma_start3A_28 : memref<125x80xi32, #tpu.memory_space<hbm>>) target(%arg7 : memref<125x80xi32, #tpu.memory_space<vmem>>) target_semaphore(%run_scoped3A_21 : memref<!tpu.dma_semaphore, #tpu.memory_space<semaphore_mem>>)
      %dma_wait3A_29 = arith.constant 0 : i32
      %dma_wait3A_30 = arith.constant 0 : i32
      %dma_wait3A_31 = tpu.memref_slice %arg4[%add3A, %dma_wait3A_29, %dma_wait3A_30] : memref<32x125x80xi32, #tpu.memory_space<hbm>> -> memref<1x125x80xi32, #tpu.memory_space<hbm>>
      %dma_wait3A_32 = tpu.memref_squeeze %dma_wait3A_31 : memref<1x125x80xi32, #tpu.memory_space<hbm>> -> memref<125x80xi32, #tpu.memory_space<hbm>>
      %dma_wait3A_33 = arith.constant 0 : i32
      %dma_wait3A_34 = arith.constant 0 : i32
      %dma_wait3A_35 = tpu.memref_slice %arg4[%add3A, %dma_wait3A_33, %dma_wait3A_34] : memref<32x125x80xi32, #tpu.memory_space<hbm>> -> memref<1x125x80xi32, #tpu.memory_space<hbm>>
      %dma_wait3A_36 = tpu.memref_squeeze %dma_wait3A_35 : memref<1x125x80xi32, #tpu.memory_space<hbm>> -> memref<125x80xi32, #tpu.memory_space<hbm>>
      tpu.wait_dma2 semaphore(%run_scoped3A_21 : memref<!tpu.dma_semaphore, #tpu.memory_space<semaphore_mem>>) src(%dma_wait3A_36 : memref<125x80xi32, #tpu.memory_space<hbm>>) dst(%arg7 : memref<125x80xi32, #tpu.memory_space<vmem>>)
      tpu.yield
    }) : () -> ()
    %eq3A = arith.constant 0 : i32
    %eq3A_5 = arith.cmpi eq, %arg0, %eq3A : i32
    %convert_element_type3A = arith.extui %eq3A_5 : i1 to i32
    %cond3A = arith.constant 0 : i32
    %cond3A_6 = arith.cmpi ne, %convert_element_type3A, %cond3A : i32
    scf.if %cond3A_6 {
      %dma_start3A = arith.constant 0 : i32
      %dma_start3A_21 = tpu.memref_slice %arg6[%dma_start3A] : memref<10000xi32, #tpu.memory_space<vmem>> -> memref<80xi32, #tpu.memory_space<vmem>>
      %dma_start3A_22 = arith.constant 0 : i32
      %dma_start3A_23 = arith.constant 0 : i32
      %dma_start3A_24 = tpu.memref_slice %arg2[%dma_start3A_22, %dma_start3A_23] : memref<10240x128xf32, #tpu.memory_space<hbm>> -> memref<10240x128xf32, #tpu.memory_space<hbm>>
      tpu.enqueue_indirect_dma source(%dma_start3A_24 : memref<10240x128xf32, #tpu.memory_space<hbm>>) target(%arg8 : memref<80x128xf32, #tpu.memory_space<vmem>>) offsets(%dma_start3A_21 : memref<80xi32, #tpu.memory_space<vmem>>) semaphore(%arg10 : memref<!tpu.dma_semaphore, #tpu.memory_space<semaphore_mem>>)
      %dma_start3A_25 = arith.constant 80 : i32
      %dma_start3A_26 = tpu.memref_slice %arg6[%dma_start3A_25] : memref<10000xi32, #tpu.memory_space<vmem>> -> memref<80xi32, #tpu.memory_space<vmem>>
      %dma_start3A_27 = arith.constant 0 : i32
      %dma_start3A_28 = arith.constant 0 : i32
      %dma_start3A_29 = tpu.memref_slice %arg2[%dma_start3A_27, %dma_start3A_28] : memref<10240x128xf32, #tpu.memory_space<hbm>> -> memref<10240x128xf32, #tpu.memory_space<hbm>>
      tpu.enqueue_indirect_dma source(%dma_start3A_29 : memref<10240x128xf32, #tpu.memory_space<hbm>>) target(%arg9 : memref<80x128xf32, #tpu.memory_space<vmem>>) offsets(%dma_start3A_26 : memref<80xi32, #tpu.memory_space<vmem>>) semaphore(%arg11 : memref<!tpu.dma_semaphore, #tpu.memory_space<semaphore_mem>>)
      "tpu.region"() ({
        %run_scoped3A_30 = tpu.sem_alloc : memref<!tpu.dma_semaphore, #tpu.memory_space<semaphore_mem>>
        %dma_start3A_31 = arith.constant 0 : i32
        %dma_start3A_32 = tpu.memref_slice %arg12[%mul3A_2, %dma_start3A_31] : memref<10240x128xf32, #tpu.memory_space<vmem_shared>> -> memref<640x128xf32, #tpu.memory_space<vmem_shared>>
        %dma_start3A_33 = arith.constant 0 : i32
        %dma_start3A_34 = tpu.memref_slice %arg2[%mul3A_2, %dma_start3A_33] : memref<10240x128xf32, #tpu.memory_space<hbm>> -> memref<640x128xf32, #tpu.memory_space<hbm>>
        tpu.enqueue_dma source(%dma_start3A_34 : memref<640x128xf32, #tpu.memory_space<hbm>>) target(%dma_start3A_32 : memref<640x128xf32, #tpu.memory_space<vmem_shared>>) target_semaphore(%run_scoped3A_30 : memref<!tpu.dma_semaphore, #tpu.memory_space<semaphore_mem>>)
        %dma_wait3A_35 = arith.constant 0 : i32
        %dma_wait3A_36 = tpu.memref_slice %arg12[%mul3A_2, %dma_wait3A_35] : memref<10240x128xf32, #tpu.memory_space<vmem_shared>> -> memref<640x128xf32, #tpu.memory_space<vmem_shared>>
        %dma_wait3A_37 = arith.constant 0 : i32
        %dma_wait3A_38 = tpu.memref_slice %arg2[%mul3A_2, %dma_wait3A_37] : memref<10240x128xf32, #tpu.memory_space<hbm>> -> memref<640x128xf32, #tpu.memory_space<hbm>>
        tpu.wait_dma2 semaphore(%run_scoped3A_30 : memref<!tpu.dma_semaphore, #tpu.memory_space<semaphore_mem>>) src(%dma_wait3A_38 : memref<640x128xf32, #tpu.memory_space<hbm>>) dst(%dma_wait3A_36 : memref<640x128xf32, #tpu.memory_space<vmem_shared>>)
        tpu.yield
      }) : () -> ()
    } else {
    }
    %ne3A = arith.constant 0 : i32
    %ne3A_7 = arith.cmpi ne, %arg0, %ne3A : i32
    %convert_element_type3A_8 = arith.extui %ne3A_7 : i1 to i32
    %cond3A_9 = arith.constant 0 : i32
    %cond3A_10 = arith.cmpi ne, %convert_element_type3A_8, %cond3A_9 : i32
    scf.if %cond3A_10 {
      %broadcast_in_dim3A = arith.constant 0.000000e+00 : f32
      %broadcast_in_dim3A_21 = vector.broadcast %broadcast_in_dim3A : f32 to vector<16xf32>
      %scan3A_22 = arith.constant 0 : i32
      %scan3A_23 = arith.constant 0 : i32
      %scan3A_24 = arith.constant 640 : i32
      %scan3A_25 = arith.addi %scan3A_23, %scan3A_24 : i32
      %scan3A_26 = arith.constant 1 : i32
      scf.for %scan3A_43 = %scan3A_23 to %scan3A_25 step %scan3A_26  : i32 {
        %div3A = arith.constant 8 : i32
        %div3A_44 = arith.divsi %scan3A_43, %div3A : i32
        %rem3A = arith.constant 8 : i32
        %rem3A_45 = arith.remsi %scan3A_43, %rem3A : i32
        %mul3A_46 = arith.constant 16 : i32
        %mul3A_47 = arith.muli %rem3A_45, %mul3A_46 : i32
        %swap3A = arith.index_cast %div3A_44 : i32 to index
        %swap3A_48 = arith.index_cast %mul3A_47 : i32 to index
        %swap3A_49 = tpu.vector_load %arg8[%swap3A, %swap3A_48] {strides = array<i32>} : memref<80x128xf32, #tpu.memory_space<vmem>>, vector<16xf32>,
        tpu.vector_store %arg8[%swap3A, %swap3A_48], %broadcast_in_dim3A_21 {strides = array<i32>} : memref<80x128xf32, #tpu.memory_space<vmem>>, vector<16xf32>,
      }
      %scan3A_27 = arith.constant 640 : i32
      %scan3A_28 = arith.constant 0 : i32
      %scan3A_29 = arith.constant 0 : i32
      %scan3A_30 = arith.constant 8 : i32
      %scan3A_31 = arith.addi %scan3A_29, %scan3A_30 : i32
      %scan3A_32 = arith.constant 1 : i32
      scf.for %scan3A_43 = %scan3A_29 to %scan3A_31 step %scan3A_32  : i32 {
        %mul3A_44 = arith.constant 80 : i32
        %mul3A_45 = arith.muli %scan3A_43, %mul3A_44 : i32
        %add3A_46 = arith.addi %mul3A_2, %mul3A_45 : i32
        "tpu.region"() ({
          %run_scoped3A_47 = tpu.sem_alloc : memref<!tpu.dma_semaphore, #tpu.memory_space<semaphore_mem>>
          %dma_start3A_48 = arith.constant 0 : i32
          %dma_start3A_49 = tpu.memref_slice %arg12[%add3A_46, %dma_start3A_48] : memref<10240x128xf32, #tpu.memory_space<vmem_shared>> -> memref<80x128xf32, #tpu.memory_space<vmem_shared>>
          %dma_start3A_50 = arith.constant 0 : i32
          %dma_start3A_51 = tpu.memref_slice %arg12[%add3A_46, %dma_start3A_50] : memref<10240x128xf32, #tpu.memory_space<vmem_shared>> -> memref<80x128xf32, #tpu.memory_space<vmem_shared>>
          tpu.enqueue_dma source(%arg8 : memref<80x128xf32, #tpu.memory_space<vmem>>) target(%dma_start3A_51 : memref<80x128xf32, #tpu.memory_space<vmem_shared>>) target_semaphore(%run_scoped3A_47 : memref<!tpu.dma_semaphore, #tpu.memory_space<semaphore_mem>>)
          %dma_wait3A_52 = arith.constant 0 : i32
          %dma_wait3A_53 = tpu.memref_slice %arg12[%add3A_46, %dma_wait3A_52] : memref<10240x128xf32, #tpu.memory_space<vmem_shared>> -> memref<80x128xf32, #tpu.memory_space<vmem_shared>>
          %dma_wait3A_54 = arith.constant 0 : i32
          %dma_wait3A_55 = tpu.memref_slice %arg12[%add3A_46, %dma_wait3A_54] : memref<10240x128xf32, #tpu.memory_space<vmem_shared>> -> memref<80x128xf32, #tpu.memory_space<vmem_shared>>
          tpu.wait_dma2 semaphore(%run_scoped3A_47 : memref<!tpu.dma_semaphore, #tpu.memory_space<semaphore_mem>>) src(%arg8 : memref<80x128xf32, #tpu.memory_space<vmem>>) dst(%dma_wait3A_55 : memref<80x128xf32, #tpu.memory_space<vmem_shared>>)
          tpu.yield
        }) : () -> ()
      }
      %scan3A_33 = arith.constant 8 : i32
      %dma_start3A = arith.constant 0 : i32
      %dma_start3A_34 = tpu.memref_slice %arg6[%dma_start3A] : memref<10000xi32, #tpu.memory_space<vmem>> -> memref<80xi32, #tpu.memory_space<vmem>>
      %dma_start3A_35 = arith.constant 0 : i32
      %dma_start3A_36 = arith.constant 0 : i32
      %dma_start3A_37 = tpu.memref_slice %arg2[%dma_start3A_35, %dma_start3A_36] : memref<10240x128xf32, #tpu.memory_space<hbm>> -> memref<10240x128xf32, #tpu.memory_space<hbm>>
      tpu.enqueue_indirect_dma source(%dma_start3A_37 : memref<10240x128xf32, #tpu.memory_space<hbm>>) target(%arg8 : memref<80x128xf32, #tpu.memory_space<vmem>>) offsets(%dma_start3A_34 : memref<80xi32, #tpu.memory_space<vmem>>) semaphore(%arg10 : memref<!tpu.dma_semaphore, #tpu.memory_space<semaphore_mem>>)
      %dma_start3A_38 = arith.constant 80 : i32
      %dma_start3A_39 = tpu.memref_slice %arg6[%dma_start3A_38] : memref<10000xi32, #tpu.memory_space<vmem>> -> memref<80xi32, #tpu.memory_space<vmem>>
      %dma_start3A_40 = arith.constant 0 : i32
      %dma_start3A_41 = arith.constant 0 : i32
      %dma_start3A_42 = tpu.memref_slice %arg2[%dma_start3A_40, %dma_start3A_41] : memref<10240x128xf32, #tpu.memory_space<hbm>> -> memref<10240x128xf32, #tpu.memory_space<hbm>>
      tpu.enqueue_indirect_dma source(%dma_start3A_42 : memref<10240x128xf32, #tpu.memory_space<hbm>>) target(%arg9 : memref<80x128xf32, #tpu.memory_space<vmem>>) offsets(%dma_start3A_39 : memref<80xi32, #tpu.memory_space<vmem>>) semaphore(%arg11 : memref<!tpu.dma_semaphore, #tpu.memory_space<semaphore_mem>>)
    } else {
    }
    %barrier3A = arith.constant 0 : index
    tpu.barrier barrier_id(%barrier3A)
    %scan3A = arith.constant 0 : i32
    %scan3A_11 = arith.constant 0 : i32
    %scan3A_12 = arith.constant 62 : i32
    %scan3A_13 = arith.addi %scan3A_11, %scan3A_12 : i32
    %scan3A_14 = arith.constant 1 : i32
    scf.for %scan3A_21 = %scan3A_11 to %scan3A_13 step %scan3A_14  : i32 {
      %mul3A_22 = arith.constant 2 : i32
      %mul3A_23 = arith.muli %mul3A_22, %scan3A_21 : i32
      %mul3A_24 = arith.constant 80 : i32
      %mul3A_25 = arith.muli %mul3A_23, %mul3A_24 : i32
      %dma_wait3A_26 = tpu.memref_slice %arg6[%mul3A_25] : memref<10000xi32, #tpu.memory_space<vmem>> -> memref<80xi32, #tpu.memory_space<vmem>>
      %dma_wait3A_27 = arith.constant 0 : i32
      %dma_wait3A_28 = arith.constant 0 : i32
      %dma_wait3A_29 = tpu.memref_slice %arg2[%dma_wait3A_27, %dma_wait3A_28] : memref<10240x128xf32, #tpu.memory_space<hbm>> -> memref<10240x128xf32, #tpu.memory_space<hbm>>
      tpu.wait_indirect_dma semaphore(%arg10 : memref<!tpu.dma_semaphore, #tpu.memory_space<semaphore_mem>>) src(%dma_wait3A_29 : memref<10240x128xf32, #tpu.memory_space<hbm>>) dst(%arg8 : memref<80x128xf32, #tpu.memory_space<vmem>>)
      "tpu.region"() ({
        %run_scoped3A_53 = tpu.sem_alloc : memref<!tpu.dma_semaphore, #tpu.memory_space<semaphore_mem>>
        %dma_start3A = arith.constant 0 : i32
        %dma_start3A_54 = tpu.memref_slice %arg7[%mul3A_23, %dma_start3A] : memref<125x80xi32, #tpu.memory_space<vmem>> -> memref<1x80xi32, #tpu.memory_space<vmem>>
        %dma_start3A_55 = tpu.memref_squeeze %dma_start3A_54 : memref<1x80xi32, #tpu.memory_space<vmem>> -> memref<80xi32, #tpu.memory_space<vmem>>
        %dma_start3A_56 = arith.constant 0 : i32
        %dma_start3A_57 = arith.constant 0 : i32
        %dma_start3A_58 = tpu.memref_slice %arg12[%dma_start3A_56, %dma_start3A_57] : memref<10240x128xf32, #tpu.memory_space<vmem_shared>> -> memref<10240x128xf32, #tpu.memory_space<vmem_shared>>
        tpu.enqueue_indirect_dma source(%arg8 : memref<80x128xf32, #tpu.memory_space<vmem>>) target(%dma_start3A_58 : memref<10240x128xf32, #tpu.memory_space<vmem_shared>>) offsets(%dma_start3A_55 : memref<80xi32, #tpu.memory_space<vmem>>) semaphore(%run_scoped3A_53 : memref<!tpu.dma_semaphore, #tpu.memory_space<semaphore_mem>>) {add = true}
        %dma_wait3A_59 = arith.constant 0 : i32
        %dma_wait3A_60 = tpu.memref_slice %arg7[%mul3A_23, %dma_wait3A_59] : memref<125x80xi32, #tpu.memory_space<vmem>> -> memref<1x80xi32, #tpu.memory_space<vmem>>
        %dma_wait3A_61 = tpu.memref_squeeze %dma_wait3A_60 : memref<1x80xi32, #tpu.memory_space<vmem>> -> memref<80xi32, #tpu.memory_space<vmem>>
        %dma_wait3A_62 = arith.constant 0 : i32
        %dma_wait3A_63 = arith.constant 0 : i32
        %dma_wait3A_64 = tpu.memref_slice %arg12[%dma_wait3A_62, %dma_wait3A_63] : memref<10240x128xf32, #tpu.memory_space<vmem_shared>> -> memref<10240x128xf32, #tpu.memory_space<vmem_shared>>
        tpu.wait_indirect_dma semaphore(%run_scoped3A_53 : memref<!tpu.dma_semaphore, #tpu.memory_space<semaphore_mem>>) src(%arg8 : memref<80x128xf32, #tpu.memory_space<vmem>>) dst(%dma_wait3A_64 : memref<10240x128xf32, #tpu.memory_space<vmem_shared>>)
        tpu.yield
      }) : () -> ()
      %add3A_30 = arith.constant 2 : i32
      %add3A_31 = arith.addi %mul3A_23, %add3A_30 : i32
      %lt3A = arith.constant 125 : i32
      %lt3A_32 = arith.cmpi slt, %add3A_31, %lt3A : i32
      %convert_element_type3A_33 = arith.extui %lt3A_32 : i1 to i32
      %cond3A_34 = arith.constant 0 : i32
      %cond3A_35 = arith.cmpi ne, %convert_element_type3A_33, %cond3A_34 : i32
      scf.if %cond3A_35 {
        %add3A_53 = arith.constant 2 : i32
        %add3A_54 = arith.addi %mul3A_23, %add3A_53 : i32
        %mul3A_55 = arith.constant 80 : i32
        %mul3A_56 = arith.muli %add3A_54, %mul3A_55 : i32
        %dma_start3A = tpu.memref_slice %arg6[%mul3A_56] : memref<10000xi32, #tpu.memory_space<vmem>> -> memref<80xi32, #tpu.memory_space<vmem>>
        %dma_start3A_57 = arith.constant 0 : i32
        %dma_start3A_58 = arith.constant 0 : i32
        %dma_start3A_59 = tpu.memref_slice %arg2[%dma_start3A_57, %dma_start3A_58] : memref<10240x128xf32, #tpu.memory_space<hbm>> -> memref<10240x128xf32, #tpu.memory_space<hbm>>
        tpu.enqueue_indirect_dma source(%dma_start3A_59 : memref<10240x128xf32, #tpu.memory_space<hbm>>) target(%arg8 : memref<80x128xf32, #tpu.memory_space<vmem>>) offsets(%dma_start3A : memref<80xi32, #tpu.memory_space<vmem>>) semaphore(%arg10 : memref<!tpu.dma_semaphore, #tpu.memory_space<semaphore_mem>>)
      } else {
      }
      %add3A_36 = arith.constant 1 : i32
      %add3A_37 = arith.addi %mul3A_23, %add3A_36 : i32
      %mul3A_38 = arith.constant 80 : i32
      %mul3A_39 = arith.muli %add3A_37, %mul3A_38 : i32
      %dma_wait3A_40 = tpu.memref_slice %arg6[%mul3A_39] : memref<10000xi32, #tpu.memory_space<vmem>> -> memref<80xi32, #tpu.memory_space<vmem>>
      %dma_wait3A_41 = arith.constant 0 : i32
      %dma_wait3A_42 = arith.constant 0 : i32
      %dma_wait3A_43 = tpu.memref_slice %arg2[%dma_wait3A_41, %dma_wait3A_42] : memref<10240x128xf32, #tpu.memory_space<hbm>> -> memref<10240x128xf32, #tpu.memory_space<hbm>>
      tpu.wait_indirect_dma semaphore(%arg11 : memref<!tpu.dma_semaphore, #tpu.memory_space<semaphore_mem>>) src(%dma_wait3A_43 : memref<10240x128xf32, #tpu.memory_space<hbm>>) dst(%arg9 : memref<80x128xf32, #tpu.memory_space<vmem>>)
      %add3A_44 = arith.constant 1 : i32
      %add3A_45 = arith.addi %mul3A_23, %add3A_44 : i32
      "tpu.region"() ({
        %run_scoped3A_53 = tpu.sem_alloc : memref<!tpu.dma_semaphore, #tpu.memory_space<semaphore_mem>>
        %dma_start3A = arith.constant 0 : i32
        %dma_start3A_54 = tpu.memref_slice %arg7[%add3A_45, %dma_start3A] : memref<125x80xi32, #tpu.memory_space<vmem>> -> memref<1x80xi32, #tpu.memory_space<vmem>>
        %dma_start3A_55 = tpu.memref_squeeze %dma_start3A_54 : memref<1x80xi32, #tpu.memory_space<vmem>> -> memref<80xi32, #tpu.memory_space<vmem>>
        %dma_start3A_56 = arith.constant 0 : i32
        %dma_start3A_57 = arith.constant 0 : i32
        %dma_start3A_58 = tpu.memref_slice %arg12[%dma_start3A_56, %dma_start3A_57] : memref<10240x128xf32, #tpu.memory_space<vmem_shared>> -> memref<10240x128xf32, #tpu.memory_space<vmem_shared>>
        tpu.enqueue_indirect_dma source(%arg9 : memref<80x128xf32, #tpu.memory_space<vmem>>) target(%dma_start3A_58 : memref<10240x128xf32, #tpu.memory_space<vmem_shared>>) offsets(%dma_start3A_55 : memref<80xi32, #tpu.memory_space<vmem>>) semaphore(%run_scoped3A_53 : memref<!tpu.dma_semaphore, #tpu.memory_space<semaphore_mem>>) {add = true}
        %dma_wait3A_59 = arith.constant 0 : i32
        %dma_wait3A_60 = tpu.memref_slice %arg7[%add3A_45, %dma_wait3A_59] : memref<125x80xi32, #tpu.memory_space<vmem>> -> memref<1x80xi32, #tpu.memory_space<vmem>>
        %dma_wait3A_61 = tpu.memref_squeeze %dma_wait3A_60 : memref<1x80xi32, #tpu.memory_space<vmem>> -> memref<80xi32, #tpu.memory_space<vmem>>
        %dma_wait3A_62 = arith.constant 0 : i32
        %dma_wait3A_63 = arith.constant 0 : i32
        %dma_wait3A_64 = tpu.memref_slice %arg12[%dma_wait3A_62, %dma_wait3A_63] : memref<10240x128xf32, #tpu.memory_space<vmem_shared>> -> memref<10240x128xf32, #tpu.memory_space<vmem_shared>>
        tpu.wait_indirect_dma semaphore(%run_scoped3A_53 : memref<!tpu.dma_semaphore, #tpu.memory_space<semaphore_mem>>) src(%arg9 : memref<80x128xf32, #tpu.memory_space<vmem>>) dst(%dma_wait3A_64 : memref<10240x128xf32, #tpu.memory_space<vmem_shared>>)
        tpu.yield
      }) : () -> ()
      %add3A_46 = arith.constant 3 : i32
      %add3A_47 = arith.addi %mul3A_23, %add3A_46 : i32
      %lt3A_48 = arith.constant 125 : i32
      %lt3A_49 = arith.cmpi slt, %add3A_47, %lt3A_48 : i32
      %convert_element_type3A_50 = arith.extui %lt3A_49 : i1 to i32
      %cond3A_51 = arith.constant 0 : i32
      %cond3A_52 = arith.cmpi ne, %convert_element_type3A_50, %cond3A_51 : i32
      scf.if %cond3A_52 {
        %add3A_53 = arith.constant 3 : i32
        %add3A_54 = arith.addi %mul3A_23, %add3A_53 : i32
        %mul3A_55 = arith.constant 80 : i32
        %mul3A_56 = arith.muli %add3A_54, %mul3A_55 : i32
        %dma_start3A = tpu.memref_slice %arg6[%mul3A_56] : memref<10000xi32, #tpu.memory_space<vmem>> -> memref<80xi32, #tpu.memory_space<vmem>>
        %dma_start3A_57 = arith.constant 0 : i32
        %dma_start3A_58 = arith.constant 0 : i32
        %dma_start3A_59 = tpu.memref_slice %arg2[%dma_start3A_57, %dma_start3A_58] : memref<10240x128xf32, #tpu.memory_space<hbm>> -> memref<10240x128xf32, #tpu.memory_space<hbm>>
        tpu.enqueue_indirect_dma source(%dma_start3A_59 : memref<10240x128xf32, #tpu.memory_space<hbm>>) target(%arg9 : memref<80x128xf32, #tpu.memory_space<vmem>>) offsets(%dma_start3A : memref<80xi32, #tpu.memory_space<vmem>>) semaphore(%arg11 : memref<!tpu.dma_semaphore, #tpu.memory_space<semaphore_mem>>)
      } else {
      }
    }
    %scan3A_15 = arith.constant 62 : i32
    %dma_wait3A = arith.constant 9920 : i32
    %dma_wait3A_16 = tpu.memref_slice %arg6[%dma_wait3A] : memref<10000xi32, #tpu.memory_space<vmem>> -> memref<80xi32, #tpu.memory_space<vmem>>
    %dma_wait3A_17 = arith.constant 0 : i32
    %dma_wait3A_18 = arith.constant 0 : i32
    %dma_wait3A_19 = tpu.memref_slice %arg2[%dma_wait3A_17, %dma_wait3A_18] : memref<10240x128xf32, #tpu.memory_space<hbm>> -> memref<10240x128xf32, #tpu.memory_space<hbm>>
    tpu.wait_indirect_dma semaphore(%arg10 : memref<!tpu.dma_semaphore, #tpu.memory_space<semaphore_mem>>) src(%dma_wait3A_19 : memref<10240x128xf32, #tpu.memory_space<hbm>>) dst(%arg8 : memref<80x128xf32, #tpu.memory_space<vmem>>)
    %run_scoped3A = arith.constant 124 : i32
    "tpu.region"() ({
      %run_scoped3A_21 = tpu.sem_alloc : memref<!tpu.dma_semaphore, #tpu.memory_space<semaphore_mem>>
      %dma_start3A = arith.constant 0 : i32
      %dma_start3A_22 = tpu.memref_slice %arg7[%run_scoped3A, %dma_start3A] : memref<125x80xi32, #tpu.memory_space<vmem>> -> memref<1x80xi32, #tpu.memory_space<vmem>>
      %dma_start3A_23 = tpu.memref_squeeze %dma_start3A_22 : memref<1x80xi32, #tpu.memory_space<vmem>> -> memref<80xi32, #tpu.memory_space<vmem>>
      %dma_start3A_24 = arith.constant 0 : i32
      %dma_start3A_25 = arith.constant 0 : i32
      %dma_start3A_26 = tpu.memref_slice %arg12[%dma_start3A_24, %dma_start3A_25] : memref<10240x128xf32, #tpu.memory_space<vmem_shared>> -> memref<10240x128xf32, #tpu.memory_space<vmem_shared>>
      tpu.enqueue_indirect_dma source(%arg8 : memref<80x128xf32, #tpu.memory_space<vmem>>) target(%dma_start3A_26 : memref<10240x128xf32, #tpu.memory_space<vmem_shared>>) offsets(%dma_start3A_23 : memref<80xi32, #tpu.memory_space<vmem>>) semaphore(%run_scoped3A_21 : memref<!tpu.dma_semaphore, #tpu.memory_space<semaphore_mem>>) {add = true}
      %dma_wait3A_27 = arith.constant 0 : i32
      %dma_wait3A_28 = tpu.memref_slice %arg7[%run_scoped3A, %dma_wait3A_27] : memref<125x80xi32, #tpu.memory_space<vmem>> -> memref<1x80xi32, #tpu.memory_space<vmem>>
      %dma_wait3A_29 = tpu.memref_squeeze %dma_wait3A_28 : memref<1x80xi32, #tpu.memory_space<vmem>> -> memref<80xi32, #tpu.memory_space<vmem>>
      %dma_wait3A_30 = arith.constant 0 : i32
      %dma_wait3A_31 = arith.constant 0 : i32
      %dma_wait3A_32 = tpu.memref_slice %arg12[%dma_wait3A_30, %dma_wait3A_31] : memref<10240x128xf32, #tpu.memory_space<vmem_shared>> -> memref<10240x128xf32, #tpu.memory_space<vmem_shared>>
      tpu.wait_indirect_dma semaphore(%run_scoped3A_21 : memref<!tpu.dma_semaphore, #tpu.memory_space<semaphore_mem>>) src(%arg8 : memref<80x128xf32, #tpu.memory_space<vmem>>) dst(%dma_wait3A_32 : memref<10240x128xf32, #tpu.memory_space<vmem_shared>>)
      tpu.yield
    }) : () -> ()
    %barrier3A_20 = arith.constant 0 : index
    tpu.barrier barrier_id(%barrier3A_20)
    "tpu.region"() ({
      %run_scoped3A_21 = tpu.sem_alloc : memref<!tpu.dma_semaphore, #tpu.memory_space<semaphore_mem>>
      %dma_start3A = arith.constant 0 : i32
      %dma_start3A_22 = tpu.memref_slice %arg5[%arg0, %mul3A_2, %dma_start3A] : memref<2x10240x128xf32, #tpu.memory_space<hbm>> -> memref<1x640x128xf32, #tpu.memory_space<hbm>>
      %dma_start3A_23 = tpu.memref_squeeze %dma_start3A_22 : memref<1x640x128xf32, #tpu.memory_space<hbm>> -> memref<640x128xf32, #tpu.memory_space<hbm>>
      %dma_start3A_24 = arith.constant 0 : i32
      %dma_start3A_25 = tpu.memref_slice %arg12[%mul3A_2, %dma_start3A_24] : memref<10240x128xf32, #tpu.memory_space<vmem_shared>> -> memref<640x128xf32, #tpu.memory_space<vmem_shared>>
      tpu.enqueue_dma source(%dma_start3A_25 : memref<640x128xf32, #tpu.memory_space<vmem_shared>>) target(%dma_start3A_23 : memref<640x128xf32, #tpu.memory_space<hbm>>) target_semaphore(%run_scoped3A_21 : memref<!tpu.dma_semaphore, #tpu.memory_space<semaphore_mem>>)
      %dma_wait3A_26 = arith.constant 0 : i32
      %dma_wait3A_27 = tpu.memref_slice %arg5[%arg0, %mul3A_2, %dma_wait3A_26] : memref<2x10240x128xf32, #tpu.memory_space<hbm>> -> memref<1x640x128xf32, #tpu.memory_space<hbm>>
      %dma_wait3A_28 = tpu.memref_squeeze %dma_wait3A_27 : memref<1x640x128xf32, #tpu.memory_space<hbm>> -> memref<640x128xf32, #tpu.memory_space<hbm>>
      %dma_wait3A_29 = arith.constant 0 : i32
      %dma_wait3A_30 = tpu.memref_slice %arg12[%mul3A_2, %dma_wait3A_29] : memref<10240x128xf32, #tpu.memory_space<vmem_shared>> -> memref<640x128xf32, #tpu.memory_space<vmem_shared>>
      tpu.wait_dma2 semaphore(%run_scoped3A_21 : memref<!tpu.dma_semaphore, #tpu.memory_space<semaphore_mem>>) src(%dma_wait3A_30 : memref<640x128xf32, #tpu.memory_space<vmem_shared>>) dst(%dma_wait3A_28 : memref<640x128xf32, #tpu.memory_space<hbm>>)
      tpu.yield
    }) : () -> ()
    return
  }
}

#map = affine_map<(d0, d1) -> (0, 0)>
module attributes {stable_mosaic.version = 14 : i64} {
  func.func @_sc_degree(%arg0: i32, %arg1: i32, %arg2: memref<2x320000xi32, #tpu.memory_space<hbm>>, %arg3: memref<32x10240xf32, #tpu.memory_space<hbm>>, %arg4: memref<2x9984xi32, #tpu.memory_space<vmem>>, %arg5: memref<2x512xi32, #tpu.memory_space<vmem>>, %arg6: memref<10240xf32, #tpu.memory_space<vmem>>) attributes {dimension_semantics = [#tpu.dimension_semantics<core_parallel>, #tpu.dimension_semantics<subcore_parallel>], iteration_bounds = array<i64: 2, 16>, scalar_prefetch = 0 : i64, scratch_operands = 3 : i64, tpu.core_type = #tpu.core_type<sc_vector_subcore>, window_params = [{transform_indices = #map}, {transform_indices = #map}]} {
    %mul3A = arith.constant 16 : i32
    %mul3A_0 = arith.muli %arg0, %mul3A : i32
    %add3A = arith.addi %mul3A_0, %arg1 : i32
    %broadcast_in_dim3A = arith.constant 0.000000e+00 : f32
    %broadcast_in_dim3A_1 = vector.broadcast %broadcast_in_dim3A : f32 to vector<16xf32>
    %broadcast_in_dim3A_2 = arith.constant 1.000000e+00 : f32
    %broadcast_in_dim3A_3 = vector.broadcast %broadcast_in_dim3A_2 : f32 to vector<16xf32>
    %scan3A = arith.constant 0 : i32
    %scan3A_4 = arith.constant 0 : i32
    %scan3A_5 = arith.constant 640 : i32
    %scan3A_6 = arith.addi %scan3A_4, %scan3A_5 : i32
    %scan3A_7 = arith.constant 1 : i32
    scf.for %scan3A_19 = %scan3A_4 to %scan3A_6 step %scan3A_7  : i32 {
      %mul3A_20 = arith.constant 16 : i32
      %mul3A_21 = arith.muli %scan3A_19, %mul3A_20 : i32
      %swap3A = arith.index_cast %mul3A_21 : i32 to index
      %swap3A_22 = tpu.vector_load %arg6[%swap3A] {strides = array<i32>} : memref<10240xf32, #tpu.memory_space<vmem>>, vector<16xf32>,
      tpu.vector_store %arg6[%swap3A], %broadcast_in_dim3A_1 {strides = array<i32>} : memref<10240xf32, #tpu.memory_space<vmem>>, vector<16xf32>,
    }
    %scan3A_8 = arith.constant 640 : i32
    %mul3A_9 = arith.constant 9984 : i32
    %mul3A_10 = arith.muli %add3A, %mul3A_9 : i32
    "tpu.region"() ({
      %run_scoped3A = tpu.sem_alloc : memref<!tpu.dma_semaphore, #tpu.memory_space<semaphore_mem>>
      %dma_start3A = arith.constant 0 : i32
      %dma_start3A_19 = tpu.memref_slice %arg2[%dma_start3A, %mul3A_10] : memref<2x320000xi32, #tpu.memory_space<hbm>> -> memref<2x9984xi32, #tpu.memory_space<hbm>>
      %dma_start3A_20 = arith.constant 0 : i32
      %dma_start3A_21 = tpu.memref_slice %arg2[%dma_start3A_20, %mul3A_10] : memref<2x320000xi32, #tpu.memory_space<hbm>> -> memref<2x9984xi32, #tpu.memory_space<hbm>>
      tpu.enqueue_dma source(%dma_start3A_21 : memref<2x9984xi32, #tpu.memory_space<hbm>>) target(%arg4 : memref<2x9984xi32, #tpu.memory_space<vmem>>) target_semaphore(%run_scoped3A : memref<!tpu.dma_semaphore, #tpu.memory_space<semaphore_mem>>)
      %dma_wait3A = arith.constant 0 : i32
      %dma_wait3A_22 = tpu.memref_slice %arg2[%dma_wait3A, %mul3A_10] : memref<2x320000xi32, #tpu.memory_space<hbm>> -> memref<2x9984xi32, #tpu.memory_space<hbm>>
      %dma_wait3A_23 = arith.constant 0 : i32
      %dma_wait3A_24 = tpu.memref_slice %arg2[%dma_wait3A_23, %mul3A_10] : memref<2x320000xi32, #tpu.memory_space<hbm>> -> memref<2x9984xi32, #tpu.memory_space<hbm>>
      tpu.wait_dma2 semaphore(%run_scoped3A : memref<!tpu.dma_semaphore, #tpu.memory_space<semaphore_mem>>) src(%dma_wait3A_24 : memref<2x9984xi32, #tpu.memory_space<hbm>>) dst(%arg4 : memref<2x9984xi32, #tpu.memory_space<vmem>>)
      tpu.yield
    }) : () -> ()
    %scan3A_11 = arith.constant 0 : i32
    %scan3A_12 = arith.constant 0 : i32
    %scan3A_13 = arith.constant 624 : i32
    %scan3A_14 = arith.addi %scan3A_12, %scan3A_13 : i32
    %scan3A_15 = arith.constant 1 : i32
    scf.for %scan3A_19 = %scan3A_12 to %scan3A_14 step %scan3A_15  : i32 {
      %mul3A_20 = arith.constant 16 : i32
      %mul3A_21 = arith.muli %scan3A_19, %mul3A_20 : i32
      %get3A = arith.constant 1 : i32
      %get3A_22 = arith.index_cast %get3A : i32 to index
      %get3A_23 = arith.index_cast %mul3A_21 : i32 to index
      %get3A_24 = tpu.vector_load %arg4[%get3A_22, %get3A_23] {strides = array<i32>} : memref<2x9984xi32, #tpu.memory_space<vmem>>, vector<16xi32>,
      tpu.vector_store_idx %arg6[%get3A_24], %broadcast_in_dim3A_3 {add = true} : memref<10240xf32, #tpu.memory_space<vmem>>[vector<16xi32>], vector<16xf32>,
    }
    %scan3A_16 = arith.constant 624 : i32
    %eq3A = arith.constant 31 : i32
    %eq3A_17 = arith.cmpi eq, %add3A, %eq3A : i32
    %convert_element_type3A = arith.extui %eq3A_17 : i1 to i32
    %cond3A = arith.constant 0 : i32
    %cond3A_18 = arith.cmpi ne, %convert_element_type3A, %cond3A : i32
    scf.if %cond3A_18 {
      "tpu.region"() ({
        %run_scoped3A = tpu.sem_alloc : memref<!tpu.dma_semaphore, #tpu.memory_space<semaphore_mem>>
        %dma_start3A = arith.constant 0 : i32
        %dma_start3A_25 = arith.constant 319488 : i32
        %dma_start3A_26 = tpu.memref_slice %arg2[%dma_start3A, %dma_start3A_25] : memref<2x320000xi32, #tpu.memory_space<hbm>> -> memref<2x512xi32, #tpu.memory_space<hbm>>
        %dma_start3A_27 = arith.constant 0 : i32
        %dma_start3A_28 = arith.constant 319488 : i32
        %dma_start3A_29 = tpu.memref_slice %arg2[%dma_start3A_27, %dma_start3A_28] : memref<2x320000xi32, #tpu.memory_space<hbm>> -> memref<2x512xi32, #tpu.memory_space<hbm>>
        tpu.enqueue_dma source(%dma_start3A_29 : memref<2x512xi32, #tpu.memory_space<hbm>>) target(%arg5 : memref<2x512xi32, #tpu.memory_space<vmem>>) target_semaphore(%run_scoped3A : memref<!tpu.dma_semaphore, #tpu.memory_space<semaphore_mem>>)
        %dma_wait3A = arith.constant 0 : i32
        %dma_wait3A_30 = arith.constant 319488 : i32
        %dma_wait3A_31 = tpu.memref_slice %arg2[%dma_wait3A, %dma_wait3A_30] : memref<2x320000xi32, #tpu.memory_space<hbm>> -> memref<2x512xi32, #tpu.memory_space<hbm>>
        %dma_wait3A_32 = arith.constant 0 : i32
        %dma_wait3A_33 = arith.constant 319488 : i32
        %dma_wait3A_34 = tpu.memref_slice %arg2[%dma_wait3A_32, %dma_wait3A_33] : memref<2x320000xi32, #tpu.memory_space<hbm>> -> memref<2x512xi32, #tpu.memory_space<hbm>>
        tpu.wait_dma2 semaphore(%run_scoped3A : memref<!tpu.dma_semaphore, #tpu.memory_space<semaphore_mem>>) src(%dma_wait3A_34 : memref<2x512xi32, #tpu.memory_space<hbm>>) dst(%arg5 : memref<2x512xi32, #tpu.memory_space<vmem>>)
        tpu.yield
      }) : () -> ()
      %scan3A_19 = arith.constant 0 : i32
      %scan3A_20 = arith.constant 0 : i32
      %scan3A_21 = arith.constant 32 : i32
      %scan3A_22 = arith.addi %scan3A_20, %scan3A_21 : i32
      %scan3A_23 = arith.constant 1 : i32
      scf.for %scan3A_25 = %scan3A_20 to %scan3A_22 step %scan3A_23  : i32 {
        %mul3A_26 = arith.constant 16 : i32
        %mul3A_27 = arith.muli %scan3A_25, %mul3A_26 : i32
        %get3A = arith.constant 1 : i32
        %get3A_28 = arith.index_cast %get3A : i32 to index
        %get3A_29 = arith.index_cast %mul3A_27 : i32 to index
        %get3A_30 = tpu.vector_load %arg5[%get3A_28, %get3A_29] {strides = array<i32>} : memref<2x512xi32, #tpu.memory_space<vmem>>, vector<16xi32>,
        tpu.vector_store_idx %arg6[%get3A_30], %broadcast_in_dim3A_3 {add = true} : memref<10240xf32, #tpu.memory_space<vmem>>[vector<16xi32>], vector<16xf32>,
      }
      %scan3A_24 = arith.constant 32 : i32
    } else {
    }
    "tpu.region"() ({
      %run_scoped3A = tpu.sem_alloc : memref<!tpu.dma_semaphore, #tpu.memory_space<semaphore_mem>>
      %dma_start3A = arith.constant 0 : i32
      %dma_start3A_19 = tpu.memref_slice %arg3[%add3A, %dma_start3A] : memref<32x10240xf32, #tpu.memory_space<hbm>> -> memref<1x10240xf32, #tpu.memory_space<hbm>>
      %dma_start3A_20 = tpu.memref_squeeze %dma_start3A_19 : memref<1x10240xf32, #tpu.memory_space<hbm>> -> memref<10240xf32, #tpu.memory_space<hbm>>
      %dma_start3A_21 = arith.constant 0 : i32
      %dma_start3A_22 = tpu.memref_slice %arg3[%add3A, %dma_start3A_21] : memref<32x10240xf32, #tpu.memory_space<hbm>> -> memref<1x10240xf32, #tpu.memory_space<hbm>>
      %dma_start3A_23 = tpu.memref_squeeze %dma_start3A_22 : memref<1x10240xf32, #tpu.memory_space<hbm>> -> memref<10240xf32, #tpu.memory_space<hbm>>
      tpu.enqueue_dma source(%arg6 : memref<10240xf32, #tpu.memory_space<vmem>>) target(%dma_start3A_23 : memref<10240xf32, #tpu.memory_space<hbm>>) target_semaphore(%run_scoped3A : memref<!tpu.dma_semaphore, #tpu.memory_space<semaphore_mem>>)
      %dma_wait3A = arith.constant 0 : i32
      %dma_wait3A_24 = tpu.memref_slice %arg3[%add3A, %dma_wait3A] : memref<32x10240xf32, #tpu.memory_space<hbm>> -> memref<1x10240xf32, #tpu.memory_space<hbm>>
      %dma_wait3A_25 = tpu.memref_squeeze %dma_wait3A_24 : memref<1x10240xf32, #tpu.memory_space<hbm>> -> memref<10240xf32, #tpu.memory_space<hbm>>
      %dma_wait3A_26 = arith.constant 0 : i32
      %dma_wait3A_27 = tpu.memref_slice %arg3[%add3A, %dma_wait3A_26] : memref<32x10240xf32, #tpu.memory_space<hbm>> -> memref<1x10240xf32, #tpu.memory_space<hbm>>
      %dma_wait3A_28 = tpu.memref_squeeze %dma_wait3A_27 : memref<1x10240xf32, #tpu.memory_space<hbm>> -> memref<10240xf32, #tpu.memory_space<hbm>>
      tpu.wait_dma2 semaphore(%run_scoped3A : memref<!tpu.dma_semaphore, #tpu.memory_space<semaphore_mem>>) src(%arg6 : memref<10240xf32, #tpu.memory_space<vmem>>) dst(%dma_wait3A_28 : memref<10240xf32, #tpu.memory_space<hbm>>)
      tpu.yield
    }) : () -> ()
    return
  }
}

module attributes {stable_mosaic.version = 14 : i64} {
  func.func @_tc_transform_body(%arg0: i32, %arg1: memref<2048x128xf32, #tpu.memory_space<vmem>>, %arg2: memref<128x128xf32, #tpu.memory_space<vmem>>, %arg3: memref<32x2048xf32, #tpu.memory_space<vmem>>, %arg4: memref<2048x128xf32, #tpu.memory_space<vmem>>) attributes {dimension_semantics = [#tpu.dimension_semantics<arbitrary>], iteration_bounds = array<i64: 5>, scalar_prefetch = 0 : i64, scratch_operands = 0 : i64, tpu.core_type = #tpu.core_type<tc>, window_params = [{transform_indices = @transform_0, window_bounds = array<i64: 2048, 128>}, {pipeline_mode = #tpu.pipeline_mode<synchronous>, transform_indices = @transform_1, window_bounds = array<i64: 128, 128>}, {transform_indices = @transform_2, window_bounds = array<i64: 32, 2048>}, {transform_indices = @transform_3, window_bounds = array<i64: 2048, 128>}]} {
    %get3A = arith.constant 0 : index
    %get3A_0 = arith.constant 0 : index
    %get3A_1 = vector.load %arg3[%get3A, %get3A_0] : memref<32x2048xf32, #tpu.memory_space<vmem>>, vector<32x2048xf32>
    %reduce_sum3A = arith.constant dense<0.000000e+00> : vector<2048xf32>
    %reduce_sum3A_2 = vector.multi_reduction <add>, %get3A_1, %reduce_sum3A [0] : vector<32x2048xf32> to vector<2048xf32>
    %add3A = arith.constant 1.000000e+00 : f32
    %add3A_3 = vector.broadcast %add3A : f32 to vector<2048xf32>
    %add3A_4 = arith.addf %reduce_sum3A_2, %add3A_3 : vector<2048xf32>
    %max3A = arith.constant 9.99999971E-10 : f32
    %max3A_5 = vector.broadcast %max3A : f32 to vector<2048xf32>
    %max3A_6 = arith.maximumf %add3A_4, %max3A_5 : vector<2048xf32>
    %rsqrt3A = math.rsqrt %max3A_6 : vector<2048xf32>
    %get3A_7 = arith.constant 0 : index
    %get3A_8 = arith.constant 0 : index
    %get3A_9 = vector.load %arg1[%get3A_7, %get3A_8] : memref<2048x128xf32, #tpu.memory_space<vmem>>, vector<2048x128xf32>
    %get3A_10 = arith.constant 0 : index
    %get3A_11 = arith.constant 0 : index
    %get3A_12 = vector.load %arg2[%get3A_10, %get3A_11] : memref<128x128xf32, #tpu.memory_space<vmem>>, vector<128x128xf32>
    %dot_general3A = arith.constant dense<0.000000e+00> : vector<2048x128xf32>
    %dot_general3A_13 = tpu.matmul %get3A_9, %get3A_12, %dot_general3A {dimension_numbers = #tpu.dot_dimension_numbers<[1], [0], [0], [1], [0, 0, 1, 1], [], []>, transpose_lhs_hint = false} : vector<2048x128xf32>, vector<128x128xf32>, vector<2048x128xf32> -> vector<2048x128xf32>
    %broadcast_in_dim3A = vector.shape_cast %rsqrt3A : vector<2048xf32> to vector<2048x1xf32>
    %mul3A = vector.broadcast %broadcast_in_dim3A : vector<2048x1xf32> to vector<2048x128xf32>
    %mul3A_14 = arith.mulf %dot_general3A_13, %mul3A : vector<2048x128xf32>
    %swap3A = arith.constant 0 : index
    %swap3A_15 = arith.constant 0 : index
    %swap3A_16 = vector.load %arg4[%swap3A, %swap3A_15] : memref<2048x128xf32, #tpu.memory_space<vmem>>, vector<2048x128xf32>
    tpu.vector_store %arg4[%swap3A, %swap3A_15], %mul3A_14 {strides = array<i32>} : memref<2048x128xf32, #tpu.memory_space<vmem>>, vector<2048x128xf32>,
    return
  }
  func.func @transform_0(%arg0: i32) -> (i32, i32) {
    %c0_i32 = arith.constant 0 : i32
    %c0_i32_0 = arith.constant 0 : i32
    return %arg0, %c0_i32 : i32, i32
  }
  func.func @transform_1(%arg0: i32) -> (i32, i32) {
    %c0_i32 = arith.constant 0 : i32
    %c0_i32_0 = arith.constant 0 : i32
    %c0_i32_1 = arith.constant 0 : i32
    return %c0_i32, %c0_i32_0 : i32, i32
  }
  func.func @transform_2(%arg0: i32) -> (i32, i32) {
    %c0_i32 = arith.constant 0 : i32
    %c0_i32_0 = arith.constant 0 : i32
    return %c0_i32, %arg0 : i32, i32
  }
  func.func @transform_3(%arg0: i32) -> (i32, i32) {
    %c0_i32 = arith.constant 0 : i32
    %c0_i32_0 = arith.constant 0 : i32
    return %arg0, %c0_i32 : i32, i32
  }
}

module attributes {stable_mosaic.version = 14 : i64} {
  func.func @_tc_finish_body(%arg0: i32, %arg1: memref<2x2048x128xf32, #tpu.memory_space<vmem>>, %arg2: memref<32x2048xf32, #tpu.memory_space<vmem>>, %arg3: memref<1x128xf32, #tpu.memory_space<vmem>>, %arg4: memref<2048x128xf32, #tpu.memory_space<vmem>>) attributes {dimension_semantics = [#tpu.dimension_semantics<arbitrary>], iteration_bounds = array<i64: 5>, scalar_prefetch = 0 : i64, scratch_operands = 0 : i64, tpu.core_type = #tpu.core_type<tc>, window_params = [{transform_indices = @transform_0, window_bounds = array<i64: 2, 2048, 128>}, {transform_indices = @transform_1, window_bounds = array<i64: 32, 2048>}, {pipeline_mode = #tpu.pipeline_mode<synchronous>, transform_indices = @transform_2, window_bounds = array<i64: 1, 128>}, {transform_indices = @transform_3, window_bounds = array<i64: 2048, 128>}]} {
    %get3A = arith.constant 0 : index
    %get3A_0 = arith.constant 0 : index
    %get3A_1 = vector.load %arg2[%get3A, %get3A_0] : memref<32x2048xf32, #tpu.memory_space<vmem>>, vector<32x2048xf32>
    %reduce_sum3A = arith.constant dense<0.000000e+00> : vector<2048xf32>
    %reduce_sum3A_2 = vector.multi_reduction <add>, %get3A_1, %reduce_sum3A [0] : vector<32x2048xf32> to vector<2048xf32>
    %add3A = arith.constant 1.000000e+00 : f32
    %add3A_3 = vector.broadcast %add3A : f32 to vector<2048xf32>
    %add3A_4 = arith.addf %reduce_sum3A_2, %add3A_3 : vector<2048xf32>
    %max3A = arith.constant 9.99999971E-10 : f32
    %max3A_5 = vector.broadcast %max3A : f32 to vector<2048xf32>
    %max3A_6 = arith.maximumf %add3A_4, %max3A_5 : vector<2048xf32>
    %rsqrt3A = math.rsqrt %max3A_6 : vector<2048xf32>
    %get3A_7 = arith.constant 0 : index
    %get3A_8 = arith.constant 0 : index
    %get3A_9 = arith.constant 0 : index
    %get3A_10 = vector.load %arg1[%get3A_7, %get3A_8, %get3A_9] : memref<2x2048x128xf32, #tpu.memory_space<vmem>>, vector<2x2048x128xf32>
    %slice3A = vector.extract_strided_slice %get3A_10 {offsets = [0, 0, 0], sizes = [1, 2048, 128], strides = [1, 1, 1]} : vector<2x2048x128xf32> to vector<1x2048x128xf32>
    %squeeze3A = vector.shape_cast %slice3A : vector<1x2048x128xf32> to vector<2048x128xf32>
    %slice3A_11 = vector.extract_strided_slice %get3A_10 {offsets = [1, 0, 0], sizes = [1, 2048, 128], strides = [1, 1, 1]} : vector<2x2048x128xf32> to vector<1x2048x128xf32>
    %squeeze3A_12 = vector.shape_cast %slice3A_11 : vector<1x2048x128xf32> to vector<2048x128xf32>
    %add3A_13 = arith.addf %squeeze3A, %squeeze3A_12 : vector<2048x128xf32>
    %broadcast_in_dim3A = vector.shape_cast %rsqrt3A : vector<2048xf32> to vector<2048x1xf32>
    %mul3A = vector.broadcast %broadcast_in_dim3A : vector<2048x1xf32> to vector<2048x128xf32>
    %mul3A_14 = arith.mulf %add3A_13, %mul3A : vector<2048x128xf32>
    %get3A_15 = arith.constant 0 : index
    %get3A_16 = arith.constant 0 : index
    %get3A_17 = vector.load %arg3[%get3A_15, %get3A_16] : memref<1x128xf32, #tpu.memory_space<vmem>>, vector<1x128xf32>
    %add3A_18 = vector.broadcast %get3A_17 : vector<1x128xf32> to vector<2048x128xf32>
    %add3A_19 = arith.addf %mul3A_14, %add3A_18 : vector<2048x128xf32>
    %swap3A = arith.constant 0 : index
    %swap3A_20 = arith.constant 0 : index
    %swap3A_21 = vector.load %arg4[%swap3A, %swap3A_20] : memref<2048x128xf32, #tpu.memory_space<vmem>>, vector<2048x128xf32>
    tpu.vector_store %arg4[%swap3A, %swap3A_20], %add3A_19 {strides = array<i32>} : memref<2048x128xf32, #tpu.memory_space<vmem>>, vector<2048x128xf32>,
    return
  }
  func.func @transform_0(%arg0: i32) -> (i32, i32, i32) {
    %c0_i32 = arith.constant 0 : i32
    %c0_i32_0 = arith.constant 0 : i32
    %c0_i32_1 = arith.constant 0 : i32
    return %c0_i32, %arg0, %c0_i32_0 : i32, i32, i32
  }
  func.func @transform_1(%arg0: i32) -> (i32, i32) {
    %c0_i32 = arith.constant 0 : i32
    %c0_i32_0 = arith.constant 0 : i32
    return %c0_i32, %arg0 : i32, i32
  }
  func.func @transform_2(%arg0: i32) -> (i32, i32) {
    %c0_i32 = arith.constant 0 : i32
    %c0_i32_0 = arith.constant 0 : i32
    %c0_i32_1 = arith.constant 0 : i32
    return %c0_i32, %c0_i32_0 : i32, i32
  }
  func.func @transform_3(%arg0: i32) -> (i32, i32) {
    %c0_i32 = arith.constant 0 : i32
    %c0_i32_0 = arith.constant 0 : i32
    return %arg0, %c0_i32 : i32, i32
  }
}

</mosaic_0001>

<sc_bundles>
// kernel: kernel.6.cloned.1.call-start
scs
__scs_entry_jumppad:
0x0: {  	(pc) =	sbr.rel $0x88, $3  }
0x1: {  	(tag) =	ssettag $0x0;
	lr =	simm.s32 $0x1  }
0x2: {  	[smem:$0x3F9D] =	sst lr;
	_ =	strace $0xD0000000  }
0x3: {  	_ = 	snop  }
0x4: {  	_ = 	snop  }
0x5: {  	_ = 	snop  }
0x6: {  	_ = 	snop  }
0x7: {  	_ = 	snop  }
__scs_overlays_trampoline_lowered:
0x8: {  	[smem:$0x3FAC] =	sst s0  }
0x9: {  	[smem:$0x3FAD] =	sst s1  }
0xa: {  	[smem:$0x3FAE] =	sst s2  }
0xb: {  	[smem:$0x3FAF] =	sst s3  }
0xc: {  	[smem:$0x3FB0] =	sst s4  }
0xd: {  	[smem:$0x3FB1] =	sst s5  }
0xe: {  	[smem:$0x3FB2] =	sst s6  }
0xf: {  	[smem:$0x3FB3] =	sst s7  }
0x10: {  	[smem:$0x3FB4] =	sst s8  }
0x11: {  	[smem:$0x3FB5] =	sst s9;
	s0 =	simm.s32 @!p0 $0x0  }
0x12: {  	s1 =	sld [smem:$0x3F9B];
	s0 =	simm.s32 @p0 $0x1  }
0x13: {  	[smem:$0x3FB6] =	sst s0;
	s0 =	simm.s32 @!p1 $0x0  }
0x14: {  	s2 =	sld [smem:$0x3F9A];
	s0 =	simm.s32 @p1 $0x1  }
0x15: {  	[smem:$0x3FB7] =	sst s0;
	s0 =	simm.s32 @!p2 $0x0  }
0x16: {  	s3 =	sld [smem:$0x3FDB];
	s0 =	simm.s32 @p2 $0x1  }
0x17: {  	s4 =	simm.s32 $0x1BF5;
	[smem:$0x3FB9] =	sst s0  }
0x18: {  	s0 =	sld [smem:$0x3F9C];
	_ =	swait.ge [sflag:s4], $0x0  }
0x19: {  	s7 =	sld [smem:$0x3F9D]  }
0x1a: {  	s8 =	sadd.s32 $0xFFFFE003, lr  }
0x1b: {  	s9 =	sadd.s32 $0xFFFFFEF7, lr;
	s5 =	simm.s32 $0xFFFFFFFF;
	p2 =	slt.u32 s8, $0xFFFFF086  }
0x1c: {  	p1 =	slt.u32 s9, $0xF7A;
	s5 =	simm.s32 @!p2 $0x0  }
0x1d: {  	s5 =	simm.s32 @p1 $0x1;
	p0 =	seq.s32 s7, s2  }
0x1e: {  	s7 =	smul.u32 @!p0 $0xF7A, s2;
	p2 =	seq.s32 @!p0 s5, $0x0  }
0x1f: {  	s9 =	smul.u32 $0xF7A, s1;
	s8 =	simm.s32 @!p0 $0x1BF5;
	p2 =	por !p2, p0  }
0x20: {  	[sflag:s8] =	ssyncset.s32 @!p0 $0xFFFFF086;
	s6 =	sadd.s32 @!p0 s3, s7;
	s7 =	simm.s32 @!p0 $0x108  }
0x21: {  	s3 =	sadd.s32 s3, s9;
	s6 =	sadd.s32 @!p0 $0x88, s6;
	s7 =	simm.s32 @p2 $0x1082  }
0x22: {  	[simem:s7], [sflag:s8] =	dma.local @!p0 [hbm:s6], $0xF7A  }
0x23: {  	s9 =	sor.u32 $0xD0000000, s2;
	s6 =	simm.s32 $0x108;
	_ =	swait.ge @!p0 [sflag:s8], $0x0  }
0x24: {  	s3 =	sadd.s32 $0x88, s3;
	s6 =	simm.s32 @!p1 $0x1082;
	[sflag:s4] =	ssyncset.s32 $0xFFFFF086  }
0x25: {  	[simem:s6], [sflag:s4] =	dma.local [hbm:s3], $0xF7A  }
0x26: {  	[smem:$0x3F9D] =	sst s1;
	(tag) =	ssettag s2;
	_ =	strace s9  }
0x27: {  	s1 =	sld [smem:$0x3FAD]  }
0x28: {  	s2 =	sld [smem:$0x3FAE]  }
0x29: {  	s4 =	sld [smem:$0x3FB0]  }
0x2a: {  	p0 =	seq.s32 s5, $0x0;
	s5 =	sld [smem:$0x3FB1]  }
0x2b: {  	s6 =	sld [smem:$0x3FB2]  }
0x2c: {  	s7 =	sld [smem:$0x3FB3]  }
0x2d: {  	s3 =	simm.s32 $0x108;
	s8 =	sld [smem:$0x3FB4]  }
0x2e: {  	s3 =	simm.s32 @!p0 $0x1082;
	s9 =	sld [smem:$0x3FB5]  }
0x2f: {  	lr =	sadd.s32 s0, s3;
	s0 =	sld [smem:$0x3FAC]  }
0x30: {  	s3 =	sld [smem:$0x3FAF]  }
0x31: {  	[smem:$0x3FB8] =	sst s10  }
0x32: {  	s10 =	sld [smem:$0x3FB6];
	_ =	sdelay $0x3  }
0x33: {  	p0 =	seq.s32 s10, $0x1;
	s10 =	sld [smem:$0x3FB8];
	_ =	sdelay $0x3  }
0x34: {  	[smem:$0x3FB8] =	sst s10  }
0x35: {  	s10 =	sld [smem:$0x3FB7];
	_ =	sdelay $0x3  }
0x36: {  	p1 =	seq.s32 s10, $0x1;
	s10 =	sld [smem:$0x3FB8];
	_ =	sdelay $0x3  }
0x37: {  	[smem:$0x3FB8] =	sst s10  }
0x38: {  	s10 =	sld [smem:$0x3FB9]  }
0x39: {  	_ = 	snop;
	(pc) =	sbr.ind lr, $3  }
0x3a: {  	_ = 	snop  }
0x3b: {  	_ = 	snop  }
0x3c: {  	p2 =	seq.s32 s10, $0x1;
	s10 =	sld [smem:$0x3FB8]  }
0x3d: {  	_ =	shalt  }
0x3e: {  	_ =	shalt  }
0x3f: {  	_ =	shalt  }
0x40: {  	_ =	shalt  }
0x41: {  	_ =	shalt  }
0x42: {  	_ =	shalt  }
0x43: {  	_ =	shalt  }
0x44: {  	_ =	shalt  }
0x45: {  	_ =	shalt  }
0x46: {  	_ =	shalt  }
0x47: {  	_ =	shalt  }
0x48: {  	_ =	shalt  }
0x49: {  	_ =	shalt  }
0x4a: {  	_ =	shalt  }
0x4b: {  	_ =	shalt  }
0x4c: {  	_ =	shalt  }
0x4d: {  	_ =	shalt  }
0x4e: {  	_ =	shalt  }
0x4f: {  	_ =	shalt  }
0x50: {  	_ =	shalt  }
0x51: {  	_ =	shalt  }
0x52: {  	_ =	shalt  }
0x53: {  	_ =	shalt  }
0x54: {  	_ =	shalt  }
0x55: {  	_ =	shalt  }
0x56: {  	_ =	shalt  }
0x57: {  	_ =	shalt  }
0x58: {  	_ =	shalt  }
0x59: {  	_ =	shalt  }
0x5a: {  	_ =	shalt  }
0x5b: {  	_ =	shalt  }
0x5c: {  	_ =	shalt  }
0x5d: {  	_ =	shalt  }
0x5e: {  	_ =	shalt  }
0x5f: {  	_ =	shalt  }
0x60: {  	_ =	shalt  }
0x61: {  	_ =	shalt  }
0x62: {  	_ =	shalt  }
0x63: {  	_ =	shalt  }
0x64: {  	_ =	shalt  }
0x65: {  	_ =	shalt  }
0x66: {  	_ =	shalt  }
0x67: {  	_ =	shalt  }
0x68: {  	_ =	shalt  }
0x69: {  	_ =	shalt  }
0x6a: {  	_ =	shalt  }
0x6b: {  	_ =	shalt  }
0x6c: {  	_ =	shalt  }
0x6d: {  	_ =	shalt  }
0x6e: {  	_ =	shalt  }
0x6f: {  	_ =	shalt  }
0x70: {  	_ =	shalt  }
0x71: {  	_ =	shalt  }
0x72: {  	_ =	shalt  }
0x73: {  	_ =	shalt  }
0x74: {  	_ =	shalt  }
0x75: {  	_ =	shalt  }
0x76: {  	_ =	shalt  }
0x77: {  	_ =	shalt  }
0x78: {  	_ =	shalt  }
0x79: {  	_ =	shalt  }
0x7a: {  	_ =	shalt  }
0x7b: {  	_ =	shalt  }
0x7c: {  	_ =	shalt  }
0x7d: {  	_ =	shalt  }
0x7e: {  	_ =	shalt  }
0x7f: {  	_ =	shalt  }
0x80: {  	_ =	shalt  }
0x81: {  	_ =	shalt  }
0x82: {  	_ =	shalt  }
0x83: {  	_ =	shalt  }
0x84: {  	_ =	shalt  }
0x85: {  	_ =	shalt  }
0x86: {  	_ =	shalt  }
0x87: {  	_ =	shalt  }
.Lfunc_end0:
.L_simem_size_0:
called_computation_lowered:
.L_overlay_start_0:
0x88: {  	s2 =	sld [smem:$0x3FD9]  }
0x89: {  	s3 =	sld [smem:$0x3FFE];
	_ =	sdelay $0x1  }
0x8a: {  	s1 =	srdreg.scid  }
0x8b: {  	s0 =	sand.u32 $0x1, s1  }
0x8c: {  	s17 =	sshll.u32 s0, $0xA;
	s2 =	sadd.s32 s3, s2  }
0x8d: {  	s2 =	sadd.s32 s2, s17  }
0x8e: {  	[smem:$0x3FC4] =	sst s2  }
0x8f: {  	_ = 	snop  }
0x90: {  	s2 =	sld [smem:$0x3FC8];
	(tm) =	ssettm $0x1  }
0x91: {  	s18 =	sld [smem:$0x3FFB];
	_ =	sdelay $0x3  }
0x92: {  	_ =	strace s18  }
0x93: {  	s3 =	sld [smem:$0x3FFC];
	_ =	sdelay $0x3  }
0x94: {  	_ =	strace s3  }
0x95: {  	s3 =	sld [smem:$0x3FFD];
	_ =	sdelay $0x3  }
0x96: {  	_ =	strace s3  }
0x97: {  	_ =	strace $0x8FFFFFFF  }
0x98: {  	s19 =	sld [smem:$0x3FDB];
	_ =	sdelay $0x1  }
0x99: {  	s4 =	simm.s32 $_scs_section_size  }
0x9a: {  	s5 =	simm.s32 $_size__tile_overlayer_lowered;
	s6 =	simm.s32 $_tile_overlayer_lowered  }
0x9b: {  	s22 =	simm.s32 $0x1BFF;
	s21 =	sshll.u32 s6, $0x1;
	s3 =	sadd.s32 s4, s19  }
0x9c: {  	s7 =	simm.s32 $0x0;
	s20 =	sshll.u32 s5, $0x1;
	s5 =	sadd.s32 s21, s3  }
0x9d: {  	[timem:s7], [sflag:s22] =	dma.local [hbm:s5], s20  }
0x9e: {  	_ =	swait.ge [sflag:s22], s20  }
0x9f: {  	s4 =	ssub.s32 $0x0, s20;
	[sflag:s22] =	ssyncset.done $0x0  }
0xa0: {  	[sflag:s22] =	ssyncadd.s32 s4;
	_ =	sdelay $0x1  }
0xa1: {  	s23 =	simm.s32 $0x1B8B  }
0xa2: {  	_ =	swait.ge [sflag:s23], $0x1  }
0xa3: {  	[sflag:s23] =	ssyncset.done $0x0  }
0xa4: {  	s25 =	simm.s32 $0x1B8E;
	s24 =	sld [smem:$0x3FFE];
	[sflag:s23] =	ssyncadd.s32 $0xFFFFFFFF  }
0xa5: {  	s26 =	simm.s32 $execute0_lowered;
	[smem:$0x3FD2] =	sst s25  }
0xa6: {  	s5 =	sshll.u32 s26, $0x1;
	_ =	strace $0x80000046;
	[dreg:$0x1] =	wrdreg $0xFFFFFFFF  }
0xa7: {  	s28 =	simm.s32 $_size_execute0_lowered;
	s3 =	sadd.s32 s3, s5;
	[dreg:$0x0] =	wrdreg $0x0  }
0xa8: {  	s5 =	sshll.u32 s28, $0x1;
	[dreg:$0x2] =	wrdreg s3  }
0xa9: {  	[dreg:$0x3] =	wrdreg s5  }
0xaa: {  	[dreg:$0x4] =	wrdreg $0xC0  }
0xab: {  	_ =	task [dreg:s7], $0x5FFFF  }
0xac: {  	[dreg:$0x1] =	wrdreg $0xFFFFFFFF  }
0xad: {  	[dreg:$0x0] =	wrdreg $0x60  }
0xae: {  	[dreg:$0x2] =	wrdreg s2  }
0xaf: {  	[dreg:$0x3] =	wrdreg s24  }
0xb0: {  	[dreg:$0x4] =	wrdreg $0x9  }
0xb1: {  	_ =	task.clear_ibuf [dreg:s7], $0x5FFFF;
	_ =	strace $0x90000046  }
0xb2: {  	s29 =	simm.s32 $0x9;
	_ =	strace $0x80000048  }
0xb3: {  	_ =	swait.ge [sflag:s29], $0x1  }
0xb4: {  	[sflag:s29] =	ssyncadd.s32 $0xFFFFFFFF  }
0xb5: {  	_ =	strace $0x90000048  }
0xb6: {  	_ =	sfence  }
0xb7: {  	s30 =	sld [smem:$0x0];
	_ =	sdelay $0x2  }
0xb8: {  	s31 =	sshll.u32 s1, $0xD;
	s1 =	sshrl.u32 s1, $0x2  }
0xb9: {  	s3 =	sand.u32 $0x4000, s31;
	s1 =	sadd.s32 s1, s30  }
0xba: {  	s0 =	sor.u32 s3, s0;
	s1 =	sshll.u32 s1, $0x11  }
0xbb: {  	s0 =	sor.u32 s1, s0  }
0xbc: {  	s0 =	sadd.s32 $0x8F2B, s0  }
0xbd: {  	[sflag:s0] =	ssyncadd.remote.s32 $0x1  }
0xbe: {  	_ =	sfence.sel $0xFFFF  }
0xbf: {  	[dreg:$0x0] =	wrdreg $0xFFFFFFFF;
	(pc) =	sbr.abs _section_cstart, $3  }
0xc0: {  	[dreg:$0x1] =	wrdreg $0xFFFFFFFF  }
0xc1: {  	_ =	task.clear_ibuf [dreg:s7], $0x2FFFF;
	_ =	strace $0x9FFFFFFF  }
0xc2: {  	(tm) =	ssettm $0x7FFFFFFF  }
0xc3: {  	_ =	shalt  }
tec
execute0_lowered:
.L_overlay_start_1:
0x0: {  	(tag) =	ssettag $0x1  }
0x1: {  	s4 =	rddreg [dreg:$0x0]  }
0x2: {  	s0 =	srdreg.scid;
	s5 =	rddreg [dreg:$0x1]  }
0x3: {  	s2 =	simm.s32 $0x0;
	s10 =	simm.s32 $0x80;
	s3 =	sand.u32 $0x1, s0  }
0x4: {  	s11 =	simm.s32 $0x400;
	s0 =	stileid.u32;
	s1 =	sshll.u32 s3, $0x4  }
0x5: {  	[smem:$0x7FF] =	sst s2;
	s7 =	sshll.u32 s0, $0x7;
	s9 =	sor.u32 s0, s1  }
0x6: {  	s3 =	ssub.s32 $0x2, s3;
	s6 =	sshrl.u32 s9, $0x3;
	s30 =	smul.u32 $0x9C0, s9  }
0x7: {  	s1 =	rddreg [dreg:$0x2];
	s7 =	sand.u32 $0x380, s7;
	s6 =	smul.u32 $0x14000, s6  }
.Ltmp0:
0x8: {  	_ =	strace $0x80000047;
	s8 =	sshrl.u32 s3, $0x1;
	(pc) =	sbr.rel .LBB2_1-.Ltmp0, $4  }
0x9: {  	s31 =	ssub.s32 s3, s8;
	s8 =	simm.s32 $0x5200;
	s6 =	sor.u32 s7, s6  }
0xa: {  	p0 =	sne.s32 s9, $0x1F;
	s9 =	simm.s32 $0x4E00;
	s6 =	sshrl.u32 s6, $0x3  }
0xb: {  	s3 =	sadd.s32 s4, s30;
	s4 =	sadd.s32 $0x13800, s4;
	s5 =	sadd.s32 s6, s5  }
0xc: {  	v0 =	vimm.f32 $0.0e+00;
	v1 =	vimm.f32 $1.000000000e+00;
	s7 =	simm.s32 $0x1;
	s6 =	smax.u32 s31, $0x1;
	s5 =	sadd.s32 $0x1400, s5  }
.LBB2_8:
0xd: {  	_ =	sdelay $0x3  }
0xe: {  	s12 =	sor.u32 s14, s15;
	[tilespmem:v2+s8+$0x0] =	vst.idx.add.f32.msk $0xffff, v1  }
0xf: {  	v2 =	vld [tilespmem:s12+$0x4E80];
	_ =	sdelay $0x7  }
0x10: {  	[tilespmem:v2+s8+$0x0] =	vst.idx.add.f32.msk $0xffff, v1  }
.LBB2_9:
0x11: {  	s2 =	sadd.s32 $0x1, s2  }
0x12: {  	p1 =	sne.s32 s2, s6  }
.Ltmp1:
0x13: {  	_ = 	snop;
	(pc) =	sbr.rel @!p1 .LBB2_10-.Ltmp1, $4  }
0x14: {  	[hbm4b:s5+s10] =	stream.strided.scatter [tilespmem:s8], [sflag:$0x1], $0x2800, s11, s10, $0x38;
	[tilespmem:$0x7A00] =	vst v63  }
0x15: {  	_ =	swait.ge [sflag:s7], $0x2800  }
0x16: {  	[sflag:s7] =	ssyncset.done $0x0  }
0x17: {  	[sflag:s7] =	ssyncadd.s32 $0xFFFFD800  }
.LBB2_1:
0x18: {  	s12 =	simm.s32 $0x40;
	s13 =	simm.s32 $0x0  }
.LBB2_2:
0x19: {  	p1 =	sne.s32 s12, $0x9FC0;
	[tilespmem:s13+$0x5200] =	vst v0;
	s13 =	smov.u32 s12;
	s12 =	sadd.s32 $0x40, s12  }
.Ltmp2:
0x1a: {  	(pc) =	sbr.rel @p1 .LBB2_2-.Ltmp2, $2  }
0x1b: {  	_ =	sdelay $0x2  }
0x1c: {  	s13 =	sshra.s32 s13, $0x2  }
0x1d: {  	[tilespmem:s13+$0x5200] =	vst v0;
	s12 =	simm.s32 $0x0  }
0x1e: {  	[tilespmem:s12], [sflag:$0x1] =	stream.linear.gather [hbm4b:s3+s12], $0x4E00, $0x38;
	[tilespmem:$0x7A00] =	vst v63  }
0x1f: {  	_ =	swait.ge [sflag:s7], $0x4E00  }
0x20: {  	s31 =	sand.u32 $0x70, s12;
	s12 =	sand.u32 $0x7F00, s12;
	[sflag:s7] =	ssyncset.done $0x0  }
0x21: {  	s13 =	sor.u32 s31, s12;
	[sflag:s7] =	ssyncadd.s32 $0xFFFFB200  }
0x22: {  	v2 =	vld [tilespmem:s13+$0x80];
	_ =	sdelay $0x5  }
0x23: {  	s14 =	simm.s32 $0x10;
	s12 =	simm.s32 $0x20  }
0x24: {  	s14 =	sand.u32 $0x70, s14;
	s15 =	sand.u32 $0x7F00, s12;
	s13 =	simm.s32 $0x20  }
.LBB2_4:
0x25: {  	p1 =	sne.s32 s13, $0x26F0;
	s14 =	sor.u32 s14, s15;
	[tilespmem:v2+s8+$0x0] =	vst.idx.add.f32.msk $0xffff, v1  }
0x26: {  	v2 =	vld [tilespmem:s14+$0x80];
	_ =	sdelay $0x2  }
.Ltmp3:
0x27: {  	(pc) =	sbr.rel @p1 .LBB2_4-.Ltmp3, $3  }
0x28: {  	_ =	sdelay $0x1  }
0x29: {  	s12 =	sadd.s32 $0x20, s12  }
0x2a: {  	s14 =	sand.u32 $0x70, s13;
	s15 =	sand.u32 $0x7F00, s12;
	s13 =	sadd.s32 $0x10, s13  }
0x2b: {  	_ =	sdelay $0x3  }
0x2c: {  	s12 =	sor.u32 s14, s15;
	[tilespmem:v2+s8+$0x0] =	vst.idx.add.f32.msk $0xffff, v1  }
0x2d: {  	v2 =	vld [tilespmem:s12+$0x80];
	_ =	sdelay $0x3  }
.Ltmp4:
0x2e: {  	_ = 	snop;
	(pc) =	sbr.rel @p0 .LBB2_9-.Ltmp4, $2  }
0x2f: {  	_ =	sdelay $0x2  }
0x30: {  	[tilespmem:v2+s8+$0x0] =	vst.idx.add.f32.msk $0xffff, v1  }
0x31: {  	s12 =	simm.s32 $0x0  }
0x32: {  	[tilespmem:s9], [sflag:$0x1] =	stream.linear.gather [hbm4b:s4+s12], $0x400, $0x38;
	[tilespmem:$0x7A00] =	vst v63  }
0x33: {  	_ =	swait.ge [sflag:s7], $0x400  }
0x34: {  	s13 =	sand.u32 $0x70, s12;
	s12 =	sand.u32 $0x300, s12;
	[sflag:s7] =	ssyncset.done $0x0  }
0x35: {  	s13 =	sor.u32 s13, s12;
	[sflag:s7] =	ssyncadd.s32 $0xFFFFFC00  }
0x36: {  	v2 =	vld [tilespmem:s13+$0x4E80];
	_ =	sdelay $0x5  }
0x37: {  	s14 =	simm.s32 $0x10;
	s12 =	simm.s32 $0x20  }
0x38: {  	s14 =	sand.u32 $0x70, s14;
	s15 =	sand.u32 $0x300, s12;
	s13 =	simm.s32 $0x20  }
.LBB2_7:
0x39: {  	p1 =	sne.s32 s13, $0x1F0;
	s14 =	sor.u32 s14, s15;
	[tilespmem:v2+s8+$0x0] =	vst.idx.add.f32.msk $0xffff, v1  }
0x3a: {  	v2 =	vld [tilespmem:s14+$0x4E80];
	_ =	sdelay $0x2  }
.Ltmp5:
0x3b: {  	(pc) =	sbr.rel @p1 .LBB2_7-.Ltmp5, $3  }
0x3c: {  	_ =	sdelay $0x1  }
0x3d: {  	s12 =	sadd.s32 $0x20, s12  }
0x3e: {  	s14 =	sand.u32 $0x70, s13;
	s15 =	sand.u32 $0x300, s12;
	s13 =	sadd.s32 $0x10, s13  }
.Ltmp6:
0x3f: {  	_ = 	snop;
	(pc) =	sbr.rel .LBB2_8-.Ltmp6, $1  }
0x40: {  	_ =	sdelay $0x3  }
.LBB2_10:
0x41: {  	_ =	sfence.sel $0x180000  }
0x42: {  	[bflag:$0x0] =	sbarrier.arrive $0xFFFF  }
0x43: {  	p0 =	sne.s32 s0, $0x0;
	_ =	strace $0x90000047  }
0x44: {  	s0 =	sadd.s32 @!p0 $0x100000, s1;
	[bflag:$0x2] =	sbarrier.arrive $0xFFFF  }
0x45: {  	[sflag:s0] =	ssyncadd.tile.s32 @!p0 $0x1;
	_ =	shalt  }
.Lfunc_end2:
_tile_overlayer_lowered:
.L_overlay_start_2:
0x46: {  	(tag) =	ssettag $0x2  }
0x47: {  	s0 =	rddreg [dreg:$0x0];
	s2 =	stileid.u32  }
0x48: {  	s1 =	rddreg [dreg:$0x1];
	p0 =	sne.s32 s2, $0x0  }
0x49: {  	s3 =	rddreg [dreg:$0x2];
	[bflag:$0x3] =	sbarrier.arrive $0xFFFF;
	s2 =	simm.s32 @!p0 $0x1C01  }
0x4a: {  	[timem:s3], [sflag:s2] =	dma.local @!p0 [hbm:s0], s1  }
0x4b: {  	s0 =	simm.s32 @!p0 $0x1  }
0x4c: {  	_ =	swait.ge @!p0 [sflag:s0], s1  }
0x4d: {  	s1 =	ssub.s32 @!p0 $0x0, s1;
	[sflag:s0] =	ssyncset.done @!p0 $0x0  }
0x4e: {  	[sflag:s0] =	ssyncadd.s32 @!p0 s1  }
0x4f: {  	[bflag:$0x3] =	sbarrier.arrive $0xFFFF  }
0x50: {  	_ =	shalt  }

// kernel: kernel.9.cloned.1.call-start
scs
__scs_entry_jumppad:
0x0: {  	(pc) =	sbr.rel $0x88, $3  }
0x1: {  	(tag) =	ssettag $0x0;
	lr =	simm.s32 $0x1  }
0x2: {  	[smem:$0x3F9D] =	sst lr;
	_ =	strace $0xD0000000  }
0x3: {  	_ = 	snop  }
0x4: {  	_ = 	snop  }
0x5: {  	_ = 	snop  }
0x6: {  	_ = 	snop  }
0x7: {  	_ = 	snop  }
__scs_overlays_trampoline_lowered:
0x8: {  	[smem:$0x3FAC] =	sst s0  }
0x9: {  	[smem:$0x3FAD] =	sst s1  }
0xa: {  	[smem:$0x3FAE] =	sst s2  }
0xb: {  	[smem:$0x3FAF] =	sst s3  }
0xc: {  	[smem:$0x3FB0] =	sst s4  }
0xd: {  	[smem:$0x3FB1] =	sst s5  }
0xe: {  	[smem:$0x3FB2] =	sst s6  }
0xf: {  	[smem:$0x3FB3] =	sst s7  }
0x10: {  	[smem:$0x3FB4] =	sst s8  }
0x11: {  	[smem:$0x3FB5] =	sst s9;
	s0 =	simm.s32 @!p0 $0x0  }
0x12: {  	s1 =	sld [smem:$0x3F9B];
	s0 =	simm.s32 @p0 $0x1  }
0x13: {  	[smem:$0x3FB6] =	sst s0;
	s0 =	simm.s32 @!p1 $0x0  }
0x14: {  	s2 =	sld [smem:$0x3F9A];
	s0 =	simm.s32 @p1 $0x1  }
0x15: {  	[smem:$0x3FB7] =	sst s0;
	s0 =	simm.s32 @!p2 $0x0  }
0x16: {  	s3 =	sld [smem:$0x3FDB];
	s0 =	simm.s32 @p2 $0x1  }
0x17: {  	s4 =	simm.s32 $0x1BF5;
	[smem:$0x3FB9] =	sst s0  }
0x18: {  	s0 =	sld [smem:$0x3F9C];
	_ =	swait.ge [sflag:s4], $0x0  }
0x19: {  	s7 =	sld [smem:$0x3F9D]  }
0x1a: {  	s8 =	sadd.s32 $0xFFFFE003, lr  }
0x1b: {  	s9 =	sadd.s32 $0xFFFFFEF7, lr;
	s5 =	simm.s32 $0xFFFFFFFF;
	p2 =	slt.u32 s8, $0xFFFFF086  }
0x1c: {  	p1 =	slt.u32 s9, $0xF7A;
	s5 =	simm.s32 @!p2 $0x0  }
0x1d: {  	s5 =	simm.s32 @p1 $0x1;
	p0 =	seq.s32 s7, s2  }
0x1e: {  	s7 =	smul.u32 @!p0 $0xF7A, s2;
	p2 =	seq.s32 @!p0 s5, $0x0  }
0x1f: {  	s9 =	smul.u32 $0xF7A, s1;
	s8 =	simm.s32 @!p0 $0x1BF5;
	p2 =	por !p2, p0  }
0x20: {  	[sflag:s8] =	ssyncset.s32 @!p0 $0xFFFFF086;
	s6 =	sadd.s32 @!p0 s3, s7;
	s7 =	simm.s32 @!p0 $0x108  }
0x21: {  	s3 =	sadd.s32 s3, s9;
	s6 =	sadd.s32 @!p0 $0x88, s6;
	s7 =	simm.s32 @p2 $0x1082  }
0x22: {  	[simem:s7], [sflag:s8] =	dma.local @!p0 [hbm:s6], $0xF7A  }
0x23: {  	s9 =	sor.u32 $0xD0000000, s2;
	s6 =	simm.s32 $0x108;
	_ =	swait.ge @!p0 [sflag:s8], $0x0  }
0x24: {  	s3 =	sadd.s32 $0x88, s3;
	s6 =	simm.s32 @!p1 $0x1082;
	[sflag:s4] =	ssyncset.s32 $0xFFFFF086  }
0x25: {  	[simem:s6], [sflag:s4] =	dma.local [hbm:s3], $0xF7A  }
0x26: {  	[smem:$0x3F9D] =	sst s1;
	(tag) =	ssettag s2;
	_ =	strace s9  }
0x27: {  	s1 =	sld [smem:$0x3FAD]  }
0x28: {  	s2 =	sld [smem:$0x3FAE]  }
0x29: {  	s4 =	sld [smem:$0x3FB0]  }
0x2a: {  	p0 =	seq.s32 s5, $0x0;
	s5 =	sld [smem:$0x3FB1]  }
0x2b: {  	s6 =	sld [smem:$0x3FB2]  }
0x2c: {  	s7 =	sld [smem:$0x3FB3]  }
0x2d: {  	s3 =	simm.s32 $0x108;
	s8 =	sld [smem:$0x3FB4]  }
0x2e: {  	s3 =	simm.s32 @!p0 $0x1082;
	s9 =	sld [smem:$0x3FB5]  }
0x2f: {  	lr =	sadd.s32 s0, s3;
	s0 =	sld [smem:$0x3FAC]  }
0x30: {  	s3 =	sld [smem:$0x3FAF]  }
0x31: {  	[smem:$0x3FB8] =	sst s10  }
0x32: {  	s10 =	sld [smem:$0x3FB6];
	_ =	sdelay $0x3  }
0x33: {  	p0 =	seq.s32 s10, $0x1;
	s10 =	sld [smem:$0x3FB8];
	_ =	sdelay $0x3  }
0x34: {  	[smem:$0x3FB8] =	sst s10  }
0x35: {  	s10 =	sld [smem:$0x3FB7];
	_ =	sdelay $0x3  }
0x36: {  	p1 =	seq.s32 s10, $0x1;
	s10 =	sld [smem:$0x3FB8];
	_ =	sdelay $0x3  }
0x37: {  	[smem:$0x3FB8] =	sst s10  }
0x38: {  	s10 =	sld [smem:$0x3FB9]  }
0x39: {  	_ = 	snop;
	(pc) =	sbr.ind lr, $3  }
0x3a: {  	_ = 	snop  }
0x3b: {  	_ = 	snop  }
0x3c: {  	p2 =	seq.s32 s10, $0x1;
	s10 =	sld [smem:$0x3FB8]  }
0x3d: {  	_ =	shalt  }
0x3e: {  	_ =	shalt  }
0x3f: {  	_ =	shalt  }
0x40: {  	_ =	shalt  }
0x41: {  	_ =	shalt  }
0x42: {  	_ =	shalt  }
0x43: {  	_ =	shalt  }
0x44: {  	_ =	shalt  }
0x45: {  	_ =	shalt  }
0x46: {  	_ =	shalt  }
0x47: {  	_ =	shalt  }
0x48: {  	_ =	shalt  }
0x49: {  	_ =	shalt  }
0x4a: {  	_ =	shalt  }
0x4b: {  	_ =	shalt  }
0x4c: {  	_ =	shalt  }
0x4d: {  	_ =	shalt  }
0x4e: {  	_ =	shalt  }
0x4f: {  	_ =	shalt  }
0x50: {  	_ =	shalt  }
0x51: {  	_ =	shalt  }
0x52: {  	_ =	shalt  }
0x53: {  	_ =	shalt  }
0x54: {  	_ =	shalt  }
0x55: {  	_ =	shalt  }
0x56: {  	_ =	shalt  }
0x57: {  	_ =	shalt  }
0x58: {  	_ =	shalt  }
0x59: {  	_ =	shalt  }
0x5a: {  	_ =	shalt  }
0x5b: {  	_ =	shalt  }
0x5c: {  	_ =	shalt  }
0x5d: {  	_ =	shalt  }
0x5e: {  	_ =	shalt  }
0x5f: {  	_ =	shalt  }
0x60: {  	_ =	shalt  }
0x61: {  	_ =	shalt  }
0x62: {  	_ =	shalt  }
0x63: {  	_ =	shalt  }
0x64: {  	_ =	shalt  }
0x65: {  	_ =	shalt  }
0x66: {  	_ =	shalt  }
0x67: {  	_ =	shalt  }
0x68: {  	_ =	shalt  }
0x69: {  	_ =	shalt  }
0x6a: {  	_ =	shalt  }
0x6b: {  	_ =	shalt  }
0x6c: {  	_ =	shalt  }
0x6d: {  	_ =	shalt  }
0x6e: {  	_ =	shalt  }
0x6f: {  	_ =	shalt  }
0x70: {  	_ =	shalt  }
0x71: {  	_ =	shalt  }
0x72: {  	_ =	shalt  }
0x73: {  	_ =	shalt  }
0x74: {  	_ =	shalt  }
0x75: {  	_ =	shalt  }
0x76: {  	_ =	shalt  }
0x77: {  	_ =	shalt  }
0x78: {  	_ =	shalt  }
0x79: {  	_ =	shalt  }
0x7a: {  	_ =	shalt  }
0x7b: {  	_ =	shalt  }
0x7c: {  	_ =	shalt  }
0x7d: {  	_ =	shalt  }
0x7e: {  	_ =	shalt  }
0x7f: {  	_ =	shalt  }
0x80: {  	_ =	shalt  }
0x81: {  	_ =	shalt  }
0x82: {  	_ =	shalt  }
0x83: {  	_ =	shalt  }
0x84: {  	_ =	shalt  }
0x85: {  	_ =	shalt  }
0x86: {  	_ =	shalt  }
0x87: {  	_ =	shalt  }
.Lfunc_end0:
.L_simem_size_0:
called_computation.1_lowered:
.L_overlay_start_0:
0x88: {  	s2 =	sld [smem:$0x3FD9]  }
0x89: {  	s3 =	sld [smem:$0x3FFE];
	_ =	sdelay $0x1  }
0x8a: {  	s1 =	srdreg.scid  }
0x8b: {  	s0 =	sand.u32 $0x1, s1  }
0x8c: {  	s17 =	sshll.u32 s0, $0xA;
	s2 =	sadd.s32 s3, s2  }
0x8d: {  	s2 =	sadd.s32 s2, s17  }
0x8e: {  	[smem:$0x3FC4] =	sst s2  }
0x8f: {  	_ = 	snop  }
0x90: {  	s2 =	sld [smem:$0x3FD0];
	(tm) =	ssettm $0x1  }
0x91: {  	s18 =	sld [smem:$0x3FFB];
	_ =	sdelay $0x3  }
0x92: {  	_ =	strace s18  }
0x93: {  	s3 =	sld [smem:$0x3FFC];
	_ =	sdelay $0x3  }
0x94: {  	_ =	strace s3  }
0x95: {  	s3 =	sld [smem:$0x3FFD];
	_ =	sdelay $0x3  }
0x96: {  	_ =	strace s3  }
0x97: {  	_ =	strace $0x8FFFFFFF  }
0x98: {  	s19 =	sld [smem:$0x3FDB];
	_ =	sdelay $0x1  }
0x99: {  	s4 =	simm.s32 $_scs_section_size  }
0x9a: {  	s5 =	simm.s32 $_size__tile_overlayer_lowered;
	s6 =	simm.s32 $_tile_overlayer_lowered  }
0x9b: {  	s22 =	simm.s32 $0x1BFF;
	s21 =	sshll.u32 s6, $0x1;
	s3 =	sadd.s32 s4, s19  }
0x9c: {  	s7 =	simm.s32 $0x0;
	s20 =	sshll.u32 s5, $0x1;
	s5 =	sadd.s32 s21, s3  }
0x9d: {  	[timem:s7], [sflag:s22] =	dma.local [hbm:s5], s20  }
0x9e: {  	_ =	swait.ge [sflag:s22], s20  }
0x9f: {  	s4 =	ssub.s32 $0x0, s20;
	[sflag:s22] =	ssyncset.done $0x0  }
0xa0: {  	[sflag:s22] =	ssyncadd.s32 s4;
	_ =	sdelay $0x1  }
0xa1: {  	s23 =	simm.s32 $0x1B8B  }
0xa2: {  	_ =	swait.ge [sflag:s23], $0x1  }
0xa3: {  	[sflag:s23] =	ssyncset.done $0x0  }
0xa4: {  	s25 =	simm.s32 $0x1B8E;
	s24 =	sld [smem:$0x3FFE];
	[sflag:s23] =	ssyncadd.s32 $0xFFFFFFFF  }
0xa5: {  	s26 =	simm.s32 $execute0_lowered;
	[smem:$0x3FD2] =	sst s25  }
0xa6: {  	s5 =	sshll.u32 s26, $0x1;
	_ =	strace $0x80000049;
	[dreg:$0x1] =	wrdreg $0xFFFFFFFF  }
0xa7: {  	s28 =	simm.s32 $_size_execute0_lowered;
	s3 =	sadd.s32 s3, s5;
	[dreg:$0x0] =	wrdreg $0x0  }
0xa8: {  	s5 =	sshll.u32 s28, $0x1;
	[dreg:$0x2] =	wrdreg s3  }
0xa9: {  	[dreg:$0x3] =	wrdreg s5  }
0xaa: {  	[dreg:$0x4] =	wrdreg $0xC0  }
0xab: {  	_ =	task [dreg:s7], $0x5FFFF  }
0xac: {  	[dreg:$0x1] =	wrdreg $0xFFFFFFFF  }
0xad: {  	[dreg:$0x0] =	wrdreg $0x60  }
0xae: {  	[dreg:$0x2] =	wrdreg s24  }
0xaf: {  	[dreg:$0x3] =	wrdreg s2  }
0xb0: {  	[dreg:$0x4] =	wrdreg $0xB7800  }
0xb1: {  	[dreg:$0x5] =	wrdreg $0x9  }
0xb2: {  	_ =	task.clear_ibuf [dreg:s7], $0x6FFFF;
	_ =	strace $0x90000049  }
0xb3: {  	s29 =	simm.s32 $0x9;
	_ =	strace $0x8000004B  }
0xb4: {  	_ =	swait.ge [sflag:s29], $0x1  }
0xb5: {  	[sflag:s29] =	ssyncadd.s32 $0xFFFFFFFF  }
0xb6: {  	_ =	strace $0x9000004B  }
0xb7: {  	_ =	sfence  }
0xb8: {  	s30 =	sld [smem:$0x0];
	_ =	sdelay $0x2  }
0xb9: {  	s31 =	sshll.u32 s1, $0xD;
	s1 =	sshrl.u32 s1, $0x2  }
0xba: {  	s3 =	sand.u32 $0x4000, s31;
	s1 =	sadd.s32 s1, s30  }
0xbb: {  	s0 =	sor.u32 s3, s0;
	s1 =	sshll.u32 s1, $0x11  }
0xbc: {  	s0 =	sor.u32 s1, s0  }
0xbd: {  	s0 =	sadd.s32 $0x8F2B, s0  }
0xbe: {  	[sflag:s0] =	ssyncadd.remote.s32 $0x1  }
0xbf: {  	_ =	sfence.sel $0xFFFF  }
0xc0: {  	[dreg:$0x0] =	wrdreg $0xFFFFFFFF;
	(pc) =	sbr.abs _section_cstart, $3  }
0xc1: {  	[dreg:$0x1] =	wrdreg $0xFFFFFFFF  }
0xc2: {  	_ =	task.clear_ibuf [dreg:s7], $0x2FFFF;
	_ =	strace $0x9FFFFFFF  }
0xc3: {  	(tm) =	ssettm $0x7FFFFFFF  }
tec
execute0_lowered:
.L_overlay_start_1:
0x0: {  	(tag) =	ssettag $0x1  }
0x1: {  	s0 =	rddreg [dreg:$0x0]  }
0x2: {  	s1 =	rddreg [dreg:$0x1]  }
0x3: {  	s2 =	rddreg [dreg:$0x2]  }
0x4: {  	s3 =	srdreg.scid;
	s12 =	stileid.u32  }
0x5: {  	s28 =	simm.s32 $0x6480;
	s29 =	simm.s32 $0x26C0;
	s7 =	smul.u32 $0x14000, s12  }
0x6: {  	s30 =	simm.s32 $0x6500;
	s31 =	simm.s32 $0x6580;
	s10 =	smul.u32 $0x50000, s12  }
0x7: {  	s8 =	sand.u32 $0x1, s3;
	s3 =	simm.s32 $0x0;
	s20 =	smul.u32 $0x2800, s12  }
0x8: {  	s26 =	sshll.u32 s12, $0x6;
	s4 =	sshll.u32 s8, $0x4;
	s5 =	smul.u32 $0x140000, s8  }
0x9: {  	[smem:$0x7FF] =	sst s3;
	s18 =	ssub.s32 $0x2, s8;
	p0 =	sne.s32 s8, $0x0  }
0xa: {  	s6 =	sor.u32 s12, s4;
	_ =	strace $0x8000004A;
	s4 =	sadd.s32 $0x15200, s0  }
0xb: {  	s19 =	sshrl.u32 s18, $0x1;
	s21 =	sshrl.u32 s10, $0x2;
	s9 =	smul.u32 $0x4E2, s6  }
0xc: {  	s5 =	sadd.s32 s7, s5;
	s11 =	ssub.s32 s18, s19;
	s6 =	sshll.u32 s6, $0xB  }
0xd: {  	s7 =	sadd.s32 s21, s2;
	s22 =	sadd.s32 s4, s20;
	s18 =	simm.s32 $0x3  }
0xe: {  	s19 =	simm.s32 $0x2780;
	s20 =	simm.s32 $0x50;
	s21 =	simm.s32 $0x6780  }
0xf: {  	s5 =	sshrl.u32 s5, $0x3;
	s6 =	sadd.s32 s1, s6;
	[dreg:$0x4] =	wrdreg s22  }
0x10: {  	s10 =	smax.u32 s11, $0x1;
	s23 =	sadd.s32 $0x2800, s7;
	s24 =	sadd.s32 $0x5000, s7  }
0x11: {  	s25 =	sadd.s32 $0x7800, s7;
	s14 =	sadd.s32 $0xA000, s7;
	s15 =	sadd.s32 $0xC800, s7  }
0x12: {  	s16 =	sadd.s32 $0xF000, s7;
	s22 =	simm.s32 $0x8F80;
	[dreg:$0x5] =	wrdreg s23  }
0x13: {  	s17 =	sadd.s32 s9, s0;
	s0 =	sadd.s32 s5, s0;
	[dreg:$0x6] =	wrdreg s24  }
0x14: {  	[dreg:$0x7] =	wrdreg s25;
	s23 =	sor.u32 $0x1C03, s26;
	s24 =	sshrl.u32 s7, $0x3  }
0x15: {  	s25 =	simm.s32 $0x1;
	s26 =	simm.s32 $0x2;
	s5 =	sadd.s32 $0xB400, s17  }
0x16: {  	v0 =	vimm.f32 $0.0e+00;
	s9 =	sadd.s32 $0x3D200, s0;
	s17 =	sadd.s32 $0x11800, s7;
	s0 =	simm.s32 $0x0  }
.LBB2_1:
0x17: {  	[tilespmem:s3], [sflag:$0x3] =	stream.linear.gather [hbm4b:s5+s3], $0x2710, $0x38;
	[tilespmem:$0x1F780] =	vst v63  }
0x18: {  	_ =	swait.ge [sflag:s18], $0x2710  }
0x19: {  	[sflag:s18] =	ssyncset.done $0x0  }
.Ltmp0:
0x1a: {  	[sflag:s18] =	ssyncadd.s32 $0xFFFFD8F0;
	(pc) =	sbr.rel @p0 .LBB2_3-.Ltmp0, $4  }
0x1b: {  	[tilespmem:s19], [sflag:$0x3] =	stream.linear.gather [hbm4b:s6+s3], $0x3E80, $0x38;
	[tilespmem:$0x1F780] =	vst v63  }
0x1c: {  	_ =	swait.ge [sflag:s18], $0x3E80  }
0x1d: {  	[sflag:s18] =	ssyncset.done $0x0  }
0x1e: {  	[sflag:s18] =	ssyncadd.s32 $0xFFFFC180  }
0x1f: {  	[tilespmem:s21], [sflag:$0x1] =	stream.indirect.gather [hbm4b:s4+s20], $0x80, s3, s20, $0xb8;
	[tilespmem:$0x1F780] =	vst v63  }
0x20: {  	_ = 	snop  }
0x21: {  	[tilespmem:s22], [sflag:$0x2] =	stream.indirect.gather [hbm4b:s4+s20], $0x80, s20, s20, $0xb8;
	[tilespmem:$0x1F780] =	vst v63  }
.Ltmp1:
0x22: {  	s1 =	rddreg [dreg:$0x4];
	(pc) =	sbr.rel .LBB2_6-.Ltmp1, $4  }
0x23: {  	[spmem:s24], [sflag:s23] =	dma.local [hbm:s1], $0x2800  }
0x24: {  	_ =	swait.ge [sflag:s18], $0x2800  }
0x25: {  	[sflag:s18] =	ssyncset.done $0x0  }
0x26: {  	[sflag:s18] =	ssyncadd.s32 $0xFFFFD800  }
.LBB2_3:
0x27: {  	s1 =	sand.u32 $0xFE00, s3  }
0x28: {  	s8 =	sand.u32 $0x70, s3;
	s11 =	sshrl.u32 s1, $0x2  }
0x29: {  	s1 =	simm.s32 $0x40;
	s11 =	sor.u32 s8, s11;
	s8 =	simm.s32 $0x0  }
.LBB2_4:
0x2a: {  	p1 =	sne.s32 s1, $0x9FC0  }
0x2b: {  	[tilespmem:s11+$0x6780] =	vst v0;
	s8 =	sadd.s32 $0x10, s8;
	s11 =	smov.u32 s1;
	s1 =	sadd.s32 $0x40, s1  }
.Ltmp2:
0x2c: {  	(pc) =	sbr.rel @p1 .LBB2_4-.Ltmp2, $4  }
0x2d: {  	_ = 	snop  }
0x2e: {  	s11 =	sand.u32 $0xFE00, s11  }
0x2f: {  	s12 =	sand.u32 $0x70, s8;
	s11 =	sshrl.u32 s11, $0x2  }
0x30: {  	s11 =	sor.u32 s12, s11  }
0x31: {  	[tilespmem:s11+$0x6780] =	vst v0  }
0x32: {  	[spmem:s7] =	stream.linear.scatter [tilespmem:s21], [sflag:$0x3], $0x2800, $0x38;
	[tilespmem:$0x1F780] =	vst v63  }
0x33: {  	_ =	swait.ge [sflag:s18], $0x2800  }
0x34: {  	[sflag:s18] =	ssyncset.done $0x0  }
0x35: {  	s1 =	rddreg [dreg:$0x5];
	[sflag:s18] =	ssyncadd.s32 $0xFFFFD800  }
0x36: {  	[spmem:s1] =	stream.linear.scatter [tilespmem:s21], [sflag:$0x3], $0x2800, $0x38;
	[tilespmem:$0x1F780] =	vst v63  }
0x37: {  	_ =	swait.ge [sflag:s18], $0x2800  }
0x38: {  	[sflag:s18] =	ssyncset.done $0x0  }
0x39: {  	s12 =	rddreg [dreg:$0x6];
	[sflag:s18] =	ssyncadd.s32 $0xFFFFD800  }
0x3a: {  	[spmem:s12] =	stream.linear.scatter [tilespmem:s21], [sflag:$0x3], $0x2800, $0x38;
	[tilespmem:$0x1F780] =	vst v63  }
0x3b: {  	_ =	swait.ge [sflag:s18], $0x2800  }
0x3c: {  	[sflag:s18] =	ssyncset.done $0x0  }
0x3d: {  	s13 =	rddreg [dreg:$0x7];
	[sflag:s18] =	ssyncadd.s32 $0xFFFFD800  }
0x3e: {  	[spmem:s13] =	stream.linear.scatter [tilespmem:s21], [sflag:$0x3], $0x2800, $0x38;
	[tilespmem:$0x1F780] =	vst v63  }
0x3f: {  	_ =	swait.ge [sflag:s18], $0x2800  }
0x40: {  	[sflag:s18] =	ssyncset.done $0x0  }
0x41: {  	[sflag:s18] =	ssyncadd.s32 $0xFFFFD800  }
0x42: {  	[spmem:s14] =	stream.linear.scatter [tilespmem:s21], [sflag:$0x3], $0x2800, $0x38;
	[tilespmem:$0x1F780] =	vst v63  }
0x43: {  	_ =	swait.ge [sflag:s18], $0x2800  }
0x44: {  	[sflag:s18] =	ssyncset.done $0x0  }
0x45: {  	[sflag:s18] =	ssyncadd.s32 $0xFFFFD800  }
0x46: {  	[spmem:s15] =	stream.linear.scatter [tilespmem:s21], [sflag:$0x3], $0x2800, $0x38;
	[tilespmem:$0x1F780] =	vst v63  }
0x47: {  	_ =	swait.ge [sflag:s18], $0x2800  }
0x48: {  	[sflag:s18] =	ssyncset.done $0x0  }
0x49: {  	[sflag:s18] =	ssyncadd.s32 $0xFFFFD800  }
0x4a: {  	[spmem:s16] =	stream.linear.scatter [tilespmem:s21], [sflag:$0x3], $0x2800, $0x38;
	[tilespmem:$0x1F780] =	vst v63  }
0x4b: {  	_ =	swait.ge [sflag:s18], $0x2800  }
0x4c: {  	[sflag:s18] =	ssyncset.done $0x0  }
0x4d: {  	[sflag:s18] =	ssyncadd.s32 $0xFFFFD800  }
0x4e: {  	[spmem:s17] =	stream.linear.scatter [tilespmem:s21], [sflag:$0x3], $0x2800, $0x38;
	[tilespmem:$0x1F780] =	vst v63  }
0x4f: {  	_ =	swait.ge [sflag:s18], $0x2800  }
0x50: {  	[sflag:s18] =	ssyncset.done $0x0  }
0x51: {  	[sflag:s18] =	ssyncadd.s32 $0xFFFFD800  }
0x52: {  	[tilespmem:s21], [sflag:$0x1] =	stream.indirect.gather [hbm4b:s4+s20], $0x80, s3, s20, $0xb8;
	[tilespmem:$0x1F780] =	vst v63  }
0x53: {  	_ = 	snop  }
0x54: {  	[tilespmem:s22], [sflag:$0x2] =	stream.indirect.gather [hbm4b:s4+s20], $0x80, s20, s20, $0xb8;
	[tilespmem:$0x1F780] =	vst v63  }
.LBB2_6:
0x55: {  	[bflag:$0x0] =	sbarrier.arrive $0xFFFF  }
0x56: {  	_ =	swait.ge [sflag:s25], $0x2800  }
0x57: {  	[sflag:s25] =	ssyncset.done $0x0  }
0x58: {  	s1 =	simm.s32 $0x2780;
	[sflag:s25] =	ssyncadd.s32 $0xFFFFD800  }
0x59: {  	[spmem:s2] =	stream.indirect.scatter.add.f32 [tilespmem:s21], [sflag:$0x3], $0x80, s1, s20, $0xb8;
	[tilespmem:$0x1F780] =	vst v63  }
0x5a: {  	_ =	swait.ge [sflag:s18], $0x2800  }
0x5b: {  	[sflag:s18] =	ssyncset.done $0x0  }
0x5c: {  	s12 =	simm.s32 $0xA0;
	[sflag:s18] =	ssyncadd.s32 $0xFFFFD800  }
0x5d: {  	[tilespmem:s21], [sflag:$0x1] =	stream.indirect.gather [hbm4b:s4+s20], $0x80, s12, s20, $0xb8;
	[tilespmem:$0x1F780] =	vst v63  }
0x5e: {  	_ =	swait.ge [sflag:s26], $0x2800  }
0x5f: {  	[sflag:s26] =	ssyncset.done $0x0  }
0x60: {  	s13 =	simm.s32 $0x2800;
	[sflag:s26] =	ssyncadd.s32 $0xFFFFD800  }
0x61: {  	[spmem:s2] =	stream.indirect.scatter.add.f32 [tilespmem:s22], [sflag:$0x3], $0x80, s13, s20, $0xb8;
	[tilespmem:$0x1F780] =	vst v63  }
0x62: {  	_ =	swait.ge [sflag:s18], $0x2800  }
0x63: {  	s8 =	simm.s32 $0x400;
	[sflag:s18] =	ssyncset.done $0x0  }
0x64: {  	s11 =	simm.s32 $0x190;
	s1 =	simm.s32 $0xF0;
	[sflag:s18] =	ssyncadd.s32 $0xFFFFD800  }
.LBB2_7:
0x65: {  	[tilespmem:s22], [sflag:$0x2] =	stream.indirect.gather [hbm4b:s4+s20], $0x80, s1, s20, $0xb8;
	[tilespmem:$0x1F780] =	vst v63  }
0x66: {  	s12 =	smov.u32 s8;
	s1 =	smov.u32 s11  }
0x67: {  	p1 =	sne.s32 s8, $0xF000;
	s8 =	sadd.s32 $0x400, s8;
	_ =	swait.ge [sflag:s25], $0x2800  }
0x68: {  	s12 =	sshra.s32 s12, $0x2;
	[sflag:s25] =	ssyncset.done $0x0  }
0x69: {  	s13 =	sadd.s32 $0x2780, s12;
	[sflag:s25] =	ssyncadd.s32 $0xFFFFD800  }
0x6a: {  	[spmem:s2] =	stream.indirect.scatter.add.f32 [tilespmem:s21], [sflag:$0x3], $0x80, s13, s20, $0xb8;
	[tilespmem:$0x1F780] =	vst v63  }
0x6b: {  	_ =	swait.ge [sflag:s18], $0x2800  }
0x6c: {  	[sflag:s18] =	ssyncset.done $0x0  }
0x6d: {  	s13 =	sadd.s32 $0xFFFFFFB0, s11;
	[sflag:s18] =	ssyncadd.s32 $0xFFFFD800  }
0x6e: {  	[tilespmem:s21], [sflag:$0x1] =	stream.indirect.gather [hbm4b:s4+s20], $0x80, s13, s20, $0xb8;
	[tilespmem:$0x1F780] =	vst v63  }
0x6f: {  	_ =	swait.ge [sflag:s26], $0x2800  }
0x70: {  	[sflag:s26] =	ssyncset.done $0x0  }
.Ltmp3:
0x71: {  	s12 =	sadd.s32 $0x2800, s12;
	[sflag:s26] =	ssyncadd.s32 $0xFFFFD800;
	(pc) =	sbr.rel @p1 .LBB2_7-.Ltmp3, $4  }
0x72: {  	[spmem:s2] =	stream.indirect.scatter.add.f32 [tilespmem:s22], [sflag:$0x3], $0x80, s12, s20, $0xb8;
	[tilespmem:$0x1F780] =	vst v63  }
0x73: {  	_ =	swait.ge [sflag:s18], $0x2800  }
0x74: {  	[sflag:s18] =	ssyncset.done $0x0  }
0x75: {  	s11 =	sadd.s32 $0xA0, s11;
	[sflag:s18] =	ssyncadd.s32 $0xFFFFD800  }
0x76: {  	[tilespmem:s22], [sflag:$0x2] =	stream.indirect.gather [hbm4b:s4+s20], $0x80, s1, s20, $0xb8;
	[tilespmem:$0x1F780] =	vst v63  }
0x77: {  	_ =	swait.ge [sflag:s25], $0x2800  }
0x78: {  	[sflag:s25] =	ssyncset.done $0x0  }
0x79: {  	[sflag:s25] =	ssyncadd.s32 $0xFFFFD800  }
0x7a: {  	[spmem:s2] =	stream.indirect.scatter.add.f32 [tilespmem:s21], [sflag:$0x3], $0x80, s28, s20, $0xb8;
	[tilespmem:$0x1F780] =	vst v63  }
0x7b: {  	_ =	swait.ge [sflag:s18], $0x2800  }
0x7c: {  	[sflag:s18] =	ssyncset.done $0x0  }
0x7d: {  	[sflag:s18] =	ssyncadd.s32 $0xFFFFD800  }
0x7e: {  	[tilespmem:s21], [sflag:$0x1] =	stream.indirect.gather [hbm4b:s4+s20], $0x80, s29, s20, $0xb8;
	[tilespmem:$0x1F780] =	vst v63  }
0x7f: {  	_ =	swait.ge [sflag:s26], $0x2800  }
0x80: {  	[sflag:s26] =	ssyncset.done $0x0  }
0x81: {  	[sflag:s26] =	ssyncadd.s32 $0xFFFFD800  }
0x82: {  	[spmem:s2] =	stream.indirect.scatter.add.f32 [tilespmem:s22], [sflag:$0x3], $0x80, s30, s20, $0xb8;
	[tilespmem:$0x1F780] =	vst v63  }
0x83: {  	_ =	swait.ge [sflag:s18], $0x2800  }
0x84: {  	[sflag:s18] =	ssyncset.done $0x0  }
0x85: {  	[sflag:s18] =	ssyncadd.s32 $0xFFFFD800  }
0x86: {  	_ =	swait.ge [sflag:s25], $0x2800  }
0x87: {  	[sflag:s25] =	ssyncset.done $0x0  }
0x88: {  	[sflag:s25] =	ssyncadd.s32 $0xFFFFD800  }
0x89: {  	[spmem:s2] =	stream.indirect.scatter.add.f32 [tilespmem:s21], [sflag:$0x3], $0x80, s31, s20, $0xb8;
	[tilespmem:$0x1F780] =	vst v63  }
0x8a: {  	_ =	swait.ge [sflag:s18], $0x2800  }
0x8b: {  	s0 =	sadd.s32 $0x1, s0;
	[sflag:s18] =	ssyncset.done $0x0  }
0x8c: {  	p1 =	sne.s32 s0, s10;
	[sflag:s18] =	ssyncadd.s32 $0xFFFFD800  }
.Ltmp4:
0x8d: {  	[bflag:$0x0] =	sbarrier.arrive $0xFFFF;
	(pc) =	sbr.rel @p1 .LBB2_1-.Ltmp4, $4  }
0x8e: {  	[hbm:s9], [sflag:s23] =	dma.local [spmem:s24], $0x2800  }
0x8f: {  	_ =	swait.ge [sflag:s18], $0x2800  }
0x90: {  	[sflag:s18] =	ssyncset.done $0x0  }
0x91: {  	[sflag:s18] =	ssyncadd.s32 $0xFFFFD800  }
0x92: {  	_ =	sfence.sel $0x180000  }
0x93: {  	[bflag:$0x0] =	sbarrier.arrive $0xFFFF  }
0x94: {  	_ =	strace $0x9000004A  }
0x95: {  	s0 =	stileid.u32;
	[bflag:$0x2] =	sbarrier.arrive $0xFFFF  }
0x96: {  	p0 =	sne.s32 s0, $0x0;
	s0 =	rddreg [dreg:$0x3]  }
0x97: {  	s0 =	sadd.s32 @!p0 $0x100000, s0  }
0x98: {  	[sflag:s0] =	ssyncadd.tile.s32 @!p0 $0x1;
	_ =	shalt  }
.Lfunc_end2:
_tile_overlayer_lowered:
.L_overlay_start_2:
0x99: {  	(tag) =	ssettag $0x2  }
0x9a: {  	s0 =	rddreg [dreg:$0x0];
	s2 =	stileid.u32  }
0x9b: {  	s1 =	rddreg [dreg:$0x1];
	p0 =	sne.s32 s2, $0x0  }
0x9c: {  	s3 =	rddreg [dreg:$0x2];
	[bflag:$0x3] =	sbarrier.arrive $0xFFFF;
	s2 =	simm.s32 @!p0 $0x1C03  }
0x9d: {  	[timem:s3], [sflag:s2] =	dma.local @!p0 [hbm:s0], s1  }
0x9e: {  	s0 =	simm.s32 @!p0 $0x3  }
0x9f: {  	_ =	swait.ge @!p0 [sflag:s0], s1  }
0xa0: {  	s1 =	ssub.s32 @!p0 $0x0, s1;
	[sflag:s0] =	ssyncset.done @!p0 $0x0  }
0xa1: {  	[sflag:s0] =	ssyncadd.s32 @!p0 s1  }
0xa2: {  	[bflag:$0x3] =	sbarrier.arrive $0xFFFF  }
0xa3: {  	_ =	shalt  }

</sc_bundles>
